<compile_context>
chip_gen: v7x
topology: tpu7x:2x2x1
jax: 0.10.2.dev20260603
libtpu: 0.0.44.dev20260713+nightly
codegen_flags: <defaults>
</compile_context>

<pallas_src>
import jax
import jax.numpy as jnp
from jax import lax
from jax.experimental import pallas as pl
from jax.experimental.pallas import tpu as pltpu
from jax.experimental.pallas import tpu_sc as plsc

BATCH = 4096
MAX_SEQ = 200
EMBED = 64
VOCAB = 1000000
LANES = 16

_info = plsc.get_sparse_core_info()
NUM_CORES = _info.num_cores
NUM_SUBCORES = _info.num_subcores
NUM_WORKERS = NUM_CORES * NUM_SUBCORES

TOTAL_ROWS = BATCH * MAX_SEQ
ROWS_PER_WORKER = TOTAL_ROWS // NUM_WORKERS
CHUNK = MAX_SEQ
NCHUNKS = ROWS_PER_WORKER // CHUNK
BBLK = BATCH // NUM_WORKERS
VECS_PER_ROW = EMBED // LANES


def _gather_body(table_hbm, idx_hbm, pos_hbm, out_hbm,
                 idx0, idx1, rows0, rows1, pos_v,
                 is0, is1, gs0, gs1, os0, os1):
    wid = lax.axis_index("s") * NUM_CORES + lax.axis_index("c")
    base = wid * ROWS_PER_WORKER

    bufs = ((idx0, rows0, is0, gs0, os0),
            (idx1, rows1, is1, gs1, os1))

    def start_idx(g, b):
        idx_v, _, isem, _, _ = bufs[b]
        pltpu.async_copy(idx_hbm.at[pl.ds(base + g * CHUNK, CHUNK)], idx_v, isem)

    def wait_idx(b):
        idx_v, _, isem, _, _ = bufs[b]
        pltpu.make_async_copy(idx_hbm.at[pl.ds(base, CHUNK)], idx_v, isem).wait()

    def start_gather(b):
        idx_v, rows_v, _, gsem, _ = bufs[b]
        pltpu.async_copy(table_hbm.at[idx_v], rows_v, gsem)

    def wait_gather(b):
        idx_v, rows_v, _, gsem, _ = bufs[b]
        pltpu.make_async_copy(table_hbm.at[idx_v], rows_v, gsem).wait()

    def start_scatter(g, b):
        _, rows_v, _, _, osem = bufs[b]
        pltpu.async_copy(rows_v, out_hbm.at[wid * BBLK + g], osem)

    def wait_scatter(b):
        _, rows_v, _, _, osem = bufs[b]
        pltpu.make_async_copy(rows_v, out_hbm.at[0], osem).wait()

    def add_pos(b):
        _, rows_v, _, _, _ = bufs[b]

        @plsc.parallel_loop(0, CHUNK, 1, unroll=8)
        def _body(r):
            for j in range(VECS_PER_ROW):
                sl = pl.ds(j * LANES, LANES)
                plsc.addupdate(rows_v.at[r, sl], pos_v[r, sl])

    pltpu.sync_copy(pos_hbm, pos_v)
    start_idx(0, 0)
    start_idx(1, 1)
    wait_idx(0)
    start_gather(0)

    def pair_body(i, carry):
        for b in (0, 1):
            g = 2 * i + b
            wait_gather(b)
            @pl.when(g + 2 < NCHUNKS)
            def _():
                start_idx(g + 2, b)
            @pl.when(g >= 1)
            def _():
                wait_scatter(1 - b)
            @pl.when(g + 1 < NCHUNKS)
            def _():
                wait_idx(1 - b)
                start_gather(1 - b)
            add_pos(b)
            start_scatter(g, b)
        return carry

    lax.fori_loop(0, NCHUNKS // 2, pair_body, 0)
    wait_scatter((NCHUNKS - 1) % 2)


@jax.jit
def _gather(idx_flat, token_table, pos_tiled):
    mesh = plsc.VectorSubcoreMesh(core_axis_name="c", subcore_axis_name="s")
    run = pl.kernel(
        _gather_body,
        out_type=jax.ShapeDtypeStruct((BATCH, MAX_SEQ, EMBED), jnp.float32),
        mesh=mesh,
        scratch_types=[
            pltpu.VMEM((CHUNK,), jnp.int32),
            pltpu.VMEM((CHUNK,), jnp.int32),
            pltpu.VMEM((CHUNK, EMBED), jnp.float32),
            pltpu.VMEM((CHUNK, EMBED), jnp.float32),
            pltpu.VMEM((CHUNK, EMBED), jnp.float32),
            pltpu.SemaphoreType.DMA,
            pltpu.SemaphoreType.DMA,
            pltpu.SemaphoreType.DMA,
            pltpu.SemaphoreType.DMA,
            pltpu.SemaphoreType.DMA,
            pltpu.SemaphoreType.DMA,
        ],
        compiler_params=pltpu.CompilerParams(use_tc_tiling_on_sc=False),
    )
    return run(token_table, idx_flat, pos_tiled)


def kernel(inputs, token_table, position_table):
    idx_flat = inputs.reshape(-1).astype(jnp.int32)
    return _gather(idx_flat, token_table, position_table)

# --- scband reference (transcript-rebuilt; emitter-appended) ---
"""Pipeline reference for scband-embedding-layer-33268816675063 (READ-ONLY COPY).

The authoritative reference and input builder live on the scoring server;
editing this copy changes nothing except your own understanding.
"""

import jax, jax.numpy as jnp
import numpy as np

VOCAB = 1000000
MAX_SEQ = 200
EMBED = 64
BATCH = 4096

def setup_inputs(seed: int = 0) -> dict:
    key = jax.random.key(seed)
    k1, k2, k3 = jax.random.split(key, 3)
    inputs = jax.random.randint(k1, (BATCH, MAX_SEQ), 0, VOCAB, dtype=jnp.int64 if jax.config.jax_enable_x64 else jnp.int32)
    token_table = jax.random.normal(k2, (VOCAB, EMBED), dtype=jnp.float32) * 0.05
    position_table = jax.random.normal(k3, (MAX_SEQ, EMBED), dtype=jnp.float32) * 0.05
    return {"inputs": inputs, "token_table": token_table, "position_table": position_table}

def reference(inputs, token_table, position_table):
    length = inputs.shape[-1]
    positions = jnp.arange(length)
    embedded_tokens = jnp.take(token_table, inputs, axis=0)
    embedded_positions = jnp.take(position_table, positions, axis=0)
    return embedded_tokens + embedded_positions

if __name__ == "__main__":
    import jax
    _d = setup_inputs()
    print(jax.jit(kernel)(*tuple(_d.values())))

</pallas_src>

<mosaic_0001>
#map = affine_map<(d0, d1) -> (0, 0)>
#map1 = affine_map<(d0, d1) -> (0)>
#map2 = affine_map<(d0, d1) -> (0, 0, 0)>
module attributes {stable_mosaic.version = 14 : i64} {
  func.func @_gather_body(%arg0: i32, %arg1: i32, %arg2: memref<1000000x64xf32, #tpu.memory_space<hbm>>, %arg3: memref<819200xi32, #tpu.memory_space<hbm>>, %arg4: memref<200x64xf32, #tpu.memory_space<hbm>>, %arg5: memref<4096x200x64xf32, #tpu.memory_space<hbm>>, %arg6: memref<200xi32, #tpu.memory_space<vmem>>, %arg7: memref<200xi32, #tpu.memory_space<vmem>>, %arg8: memref<200x64xf32, #tpu.memory_space<vmem>>, %arg9: memref<200x64xf32, #tpu.memory_space<vmem>>, %arg10: memref<200x64xf32, #tpu.memory_space<vmem>>, %arg11: memref<!tpu.dma_semaphore, #tpu.memory_space<semaphore_mem>>, %arg12: memref<!tpu.dma_semaphore, #tpu.memory_space<semaphore_mem>>, %arg13: memref<!tpu.dma_semaphore, #tpu.memory_space<semaphore_mem>>, %arg14: memref<!tpu.dma_semaphore, #tpu.memory_space<semaphore_mem>>, %arg15: memref<!tpu.dma_semaphore, #tpu.memory_space<semaphore_mem>>, %arg16: memref<!tpu.dma_semaphore, #tpu.memory_space<semaphore_mem>>) attributes {dimension_semantics = [#tpu.dimension_semantics<core_parallel>, #tpu.dimension_semantics<subcore_parallel>], iteration_bounds = array<i64: 2, 16>, scalar_prefetch = 0 : i64, scratch_operands = 11 : i64, tpu.core_type = #tpu.core_type<sc_vector_subcore>, window_params = [{transform_indices = #map}, {transform_indices = #map1}, {transform_indices = #map}, {transform_indices = #map2}]} {
    %mul3A = arith.constant 2 : i32
    %mul3A_0 = arith.muli %arg1, %mul3A : i32
    %add3A = arith.addi %mul3A_0, %arg0 : i32
    %mul3A_1 = arith.constant 25600 : i32
    %mul3A_2 = arith.muli %add3A, %mul3A_1 : i32
    "tpu.region"() ({
      %run_scoped3A = tpu.sem_alloc : memref<!tpu.dma_semaphore, #tpu.memory_space<semaphore_mem>>
      tpu.enqueue_dma source(%arg4 : memref<200x64xf32, #tpu.memory_space<hbm>>) target(%arg10 : memref<200x64xf32, #tpu.memory_space<vmem>>) target_semaphore(%run_scoped3A : memref<!tpu.dma_semaphore, #tpu.memory_space<semaphore_mem>>)
      tpu.wait_dma2 semaphore(%run_scoped3A : memref<!tpu.dma_semaphore, #tpu.memory_space<semaphore_mem>>) src(%arg4 : memref<200x64xf32, #tpu.memory_space<hbm>>) dst(%arg10 : memref<200x64xf32, #tpu.memory_space<vmem>>)
      tpu.yield
    }) : () -> ()
    %add3A_3 = arith.constant 0 : i32
    %add3A_4 = arith.addi %mul3A_2, %add3A_3 : i32
    %dma_start3A = tpu.memref_slice %arg3[%add3A_4] : memref<819200xi32, #tpu.memory_space<hbm>> -> memref<200xi32, #tpu.memory_space<hbm>>
    %dma_start3A_5 = tpu.memref_slice %arg3[%add3A_4] : memref<819200xi32, #tpu.memory_space<hbm>> -> memref<200xi32, #tpu.memory_space<hbm>>
    tpu.enqueue_dma source(%dma_start3A_5 : memref<200xi32, #tpu.memory_space<hbm>>) target(%arg6 : memref<200xi32, #tpu.memory_space<vmem>>) target_semaphore(%arg11 : memref<!tpu.dma_semaphore, #tpu.memory_space<semaphore_mem>>)
    %add3A_6 = arith.constant 200 : i32
    %add3A_7 = arith.addi %mul3A_2, %add3A_6 : i32
    %dma_start3A_8 = tpu.memref_slice %arg3[%add3A_7] : memref<819200xi32, #tpu.memory_space<hbm>> -> memref<200xi32, #tpu.memory_space<hbm>>
    %dma_start3A_9 = tpu.memref_slice %arg3[%add3A_7] : memref<819200xi32, #tpu.memory_space<hbm>> -> memref<200xi32, #tpu.memory_space<hbm>>
    tpu.enqueue_dma source(%dma_start3A_9 : memref<200xi32, #tpu.memory_space<hbm>>) target(%arg7 : memref<200xi32, #tpu.memory_space<vmem>>) target_semaphore(%arg12 : memref<!tpu.dma_semaphore, #tpu.memory_space<semaphore_mem>>)
    %dma_wait3A = tpu.memref_slice %arg3[%mul3A_2] : memref<819200xi32, #tpu.memory_space<hbm>> -> memref<200xi32, #tpu.memory_space<hbm>>
    %dma_wait3A_10 = tpu.memref_slice %arg3[%mul3A_2] : memref<819200xi32, #tpu.memory_space<hbm>> -> memref<200xi32, #tpu.memory_space<hbm>>
    tpu.wait_dma2 semaphore(%arg11 : memref<!tpu.dma_semaphore, #tpu.memory_space<semaphore_mem>>) src(%dma_wait3A_10 : memref<200xi32, #tpu.memory_space<hbm>>) dst(%arg6 : memref<200xi32, #tpu.memory_space<vmem>>)
    %dma_start3A_11 = arith.constant 0 : i32
    %dma_start3A_12 = arith.constant 0 : i32
    %dma_start3A_13 = tpu.memref_slice %arg2[%dma_start3A_11, %dma_start3A_12] : memref<1000000x64xf32, #tpu.memory_space<hbm>> -> memref<1000000x64xf32, #tpu.memory_space<hbm>>
    tpu.enqueue_indirect_dma source(%dma_start3A_13 : memref<1000000x64xf32, #tpu.memory_space<hbm>>) target(%arg8 : memref<200x64xf32, #tpu.memory_space<vmem>>) offsets(%arg6 : memref<200xi32, #tpu.memory_space<vmem>>) semaphore(%arg13 : memref<!tpu.dma_semaphore, #tpu.memory_space<semaphore_mem>>)
    %scan3A = arith.constant 0 : i32
    %scan3A_14 = arith.constant 0 : i32
    %scan3A_15 = arith.constant 64 : i32
    %scan3A_16 = arith.addi %scan3A_14, %scan3A_15 : i32
    %scan3A_17 = arith.constant 1 : i32
    scf.for %scan3A_28 = %scan3A_14 to %scan3A_16 step %scan3A_17  : i32 {
      %mul3A_29 = arith.constant 2 : i32
      %mul3A_30 = arith.muli %mul3A_29, %scan3A_28 : i32
      %add3A_31 = arith.constant 0 : i32
      %add3A_32 = arith.addi %mul3A_30, %add3A_31 : i32
      %dma_wait3A_33 = arith.constant 0 : i32
      %dma_wait3A_34 = arith.constant 0 : i32
      %dma_wait3A_35 = tpu.memref_slice %arg2[%dma_wait3A_33, %dma_wait3A_34] : memref<1000000x64xf32, #tpu.memory_space<hbm>> -> memref<1000000x64xf32, #tpu.memory_space<hbm>>
      tpu.wait_indirect_dma semaphore(%arg13 : memref<!tpu.dma_semaphore, #tpu.memory_space<semaphore_mem>>) src(%dma_wait3A_35 : memref<1000000x64xf32, #tpu.memory_space<hbm>>) dst(%arg8 : memref<200x64xf32, #tpu.memory_space<vmem>>)
      %add3A_36 = arith.constant 2 : i32
      %add3A_37 = arith.addi %add3A_32, %add3A_36 : i32
      %lt3A = arith.constant 128 : i32
      %lt3A_38 = arith.cmpi slt, %add3A_37, %lt3A : i32
      %convert_element_type3A = arith.extui %lt3A_38 : i1 to i32
      %cond3A = arith.constant 0 : i32
      %cond3A_39 = arith.cmpi ne, %convert_element_type3A, %cond3A : i32
      scf.if %cond3A_39 {
        %add3A_104 = arith.constant 2 : i32
        %add3A_105 = arith.addi %add3A_32, %add3A_104 : i32
        %mul3A_106 = arith.constant 200 : i32
        %mul3A_107 = arith.muli %add3A_105, %mul3A_106 : i32
        %add3A_108 = arith.addi %mul3A_2, %mul3A_107 : i32
        %dma_start3A_109 = tpu.memref_slice %arg3[%add3A_108] : memref<819200xi32, #tpu.memory_space<hbm>> -> memref<200xi32, #tpu.memory_space<hbm>>
        %dma_start3A_110 = tpu.memref_slice %arg3[%add3A_108] : memref<819200xi32, #tpu.memory_space<hbm>> -> memref<200xi32, #tpu.memory_space<hbm>>
        tpu.enqueue_dma source(%dma_start3A_110 : memref<200xi32, #tpu.memory_space<hbm>>) target(%arg6 : memref<200xi32, #tpu.memory_space<vmem>>) target_semaphore(%arg11 : memref<!tpu.dma_semaphore, #tpu.memory_space<semaphore_mem>>)
      } else {
      }
      %ge3A = arith.constant 1 : i32
      %ge3A_40 = arith.cmpi sge, %add3A_32, %ge3A : i32
      %convert_element_type3A_41 = arith.extui %ge3A_40 : i1 to i32
      %cond3A_42 = arith.constant 0 : i32
      %cond3A_43 = arith.cmpi ne, %convert_element_type3A_41, %cond3A_42 : i32
      scf.if %cond3A_43 {
        %dma_wait3A_104 = arith.constant 0 : i32
        %dma_wait3A_105 = arith.constant 0 : i32
        %dma_wait3A_106 = arith.constant 0 : i32
        %dma_wait3A_107 = tpu.memref_slice %arg5[%dma_wait3A_104, %dma_wait3A_105, %dma_wait3A_106] : memref<4096x200x64xf32, #tpu.memory_space<hbm>> -> memref<1x200x64xf32, #tpu.memory_space<hbm>>
        %dma_wait3A_108 = tpu.memref_squeeze %dma_wait3A_107 : memref<1x200x64xf32, #tpu.memory_space<hbm>> -> memref<200x64xf32, #tpu.memory_space<hbm>>
        %dma_wait3A_109 = arith.constant 0 : i32
        %dma_wait3A_110 = arith.constant 0 : i32
        %dma_wait3A_111 = tpu.memref_slice %arg5[%dma_wait3A_104, %dma_wait3A_109, %dma_wait3A_110] : memref<4096x200x64xf32, #tpu.memory_space<hbm>> -> memref<1x200x64xf32, #tpu.memory_space<hbm>>
        %dma_wait3A_112 = tpu.memref_squeeze %dma_wait3A_111 : memref<1x200x64xf32, #tpu.memory_space<hbm>> -> memref<200x64xf32, #tpu.memory_space<hbm>>
        tpu.wait_dma2 semaphore(%arg16 : memref<!tpu.dma_semaphore, #tpu.memory_space<semaphore_mem>>) src(%arg9 : memref<200x64xf32, #tpu.memory_space<vmem>>) dst(%dma_wait3A_112 : memref<200x64xf32, #tpu.memory_space<hbm>>)
      } else {
      }
      %add3A_44 = arith.constant 1 : i32
      %add3A_45 = arith.addi %add3A_32, %add3A_44 : i32
      %lt3A_46 = arith.constant 128 : i32
      %lt3A_47 = arith.cmpi slt, %add3A_45, %lt3A_46 : i32
      %convert_element_type3A_48 = arith.extui %lt3A_47 : i1 to i32
      %cond3A_49 = arith.constant 0 : i32
      %cond3A_50 = arith.cmpi ne, %convert_element_type3A_48, %cond3A_49 : i32
      scf.if %cond3A_50 {
        %dma_wait3A_104 = tpu.memref_slice %arg3[%mul3A_2] : memref<819200xi32, #tpu.memory_space<hbm>> -> memref<200xi32, #tpu.memory_space<hbm>>
        %dma_wait3A_105 = tpu.memref_slice %arg3[%mul3A_2] : memref<819200xi32, #tpu.memory_space<hbm>> -> memref<200xi32, #tpu.memory_space<hbm>>
        tpu.wait_dma2 semaphore(%arg12 : memref<!tpu.dma_semaphore, #tpu.memory_space<semaphore_mem>>) src(%dma_wait3A_105 : memref<200xi32, #tpu.memory_space<hbm>>) dst(%arg7 : memref<200xi32, #tpu.memory_space<vmem>>)
        %dma_start3A_106 = arith.constant 0 : i32
        %dma_start3A_107 = arith.constant 0 : i32
        %dma_start3A_108 = tpu.memref_slice %arg2[%dma_start3A_106, %dma_start3A_107] : memref<1000000x64xf32, #tpu.memory_space<hbm>> -> memref<1000000x64xf32, #tpu.memory_space<hbm>>
        tpu.enqueue_indirect_dma source(%dma_start3A_108 : memref<1000000x64xf32, #tpu.memory_space<hbm>>) target(%arg9 : memref<200x64xf32, #tpu.memory_space<vmem>>) offsets(%arg7 : memref<200xi32, #tpu.memory_space<vmem>>) semaphore(%arg14 : memref<!tpu.dma_semaphore, #tpu.memory_space<semaphore_mem>>)
      } else {
      }
      %parallel_loop3A = arith.constant 0 : i32
      %parallel_loop3A_51 = arith.constant 200 : i32
      %parallel_loop3A_52 = arith.constant 1 : i32
      scf.for %parallel_loop3A_104 = %parallel_loop3A to %parallel_loop3A_51 step %parallel_loop3A_52  : i32 {
        %parallel_loop3A_105 = arith.index_cast %parallel_loop3A_104 : i32 to index
        %parallel_loop3A_106 = arith.constant 0 : index
        %parallel_loop3A_107 = tpu.vector_load %arg10[%parallel_loop3A_105, %parallel_loop3A_106] {strides = array<i32>} : memref<200x64xf32, #tpu.memory_space<vmem>>, vector<1x16xf32>,
        %parallel_loop3A_108 = vector.shape_cast %parallel_loop3A_107 : vector<1x16xf32> to vector<16xf32>
        %parallel_loop3A_109 = arith.index_cast %parallel_loop3A_104 : i32 to index
        %parallel_loop3A_110 = arith.constant 0 : index
        %parallel_loop3A_111 = tpu.vector_load %arg8[%parallel_loop3A_109, %parallel_loop3A_110] {strides = array<i32>} : memref<200x64xf32, #tpu.memory_space<vmem>>, vector<1x16xf32>,
        %parallel_loop3A_112 = vector.shape_cast %parallel_loop3A_111 : vector<1x16xf32> to vector<16xf32>
        %parallel_loop3A_113 = vector.shape_cast %parallel_loop3A_108 : vector<16xf32> to vector<1x16xf32>
        tpu.vector_store %arg8[%parallel_loop3A_109, %parallel_loop3A_110], %parallel_loop3A_113 {add = true, strides = array<i32>} : memref<200x64xf32, #tpu.memory_space<vmem>>, vector<1x16xf32>,
        %parallel_loop3A_114 = arith.index_cast %parallel_loop3A_104 : i32 to index
        %parallel_loop3A_115 = arith.constant 16 : index
        %parallel_loop3A_116 = tpu.vector_load %arg10[%parallel_loop3A_114, %parallel_loop3A_115] {strides = array<i32>} : memref<200x64xf32, #tpu.memory_space<vmem>>, vector<1x16xf32>,
        %parallel_loop3A_117 = vector.shape_cast %parallel_loop3A_116 : vector<1x16xf32> to vector<16xf32>
        %parallel_loop3A_118 = arith.index_cast %parallel_loop3A_104 : i32 to index
        %parallel_loop3A_119 = arith.constant 16 : index
        %parallel_loop3A_120 = tpu.vector_load %arg8[%parallel_loop3A_118, %parallel_loop3A_119] {strides = array<i32>} : memref<200x64xf32, #tpu.memory_space<vmem>>, vector<1x16xf32>,
        %parallel_loop3A_121 = vector.shape_cast %parallel_loop3A_120 : vector<1x16xf32> to vector<16xf32>
        %parallel_loop3A_122 = vector.shape_cast %parallel_loop3A_117 : vector<16xf32> to vector<1x16xf32>
        tpu.vector_store %arg8[%parallel_loop3A_118, %parallel_loop3A_119], %parallel_loop3A_122 {add = true, strides = array<i32>} : memref<200x64xf32, #tpu.memory_space<vmem>>, vector<1x16xf32>,
        %parallel_loop3A_123 = arith.index_cast %parallel_loop3A_104 : i32 to index
        %parallel_loop3A_124 = arith.constant 32 : index
        %parallel_loop3A_125 = tpu.vector_load %arg10[%parallel_loop3A_123, %parallel_loop3A_124] {strides = array<i32>} : memref<200x64xf32, #tpu.memory_space<vmem>>, vector<1x16xf32>,
        %parallel_loop3A_126 = vector.shape_cast %parallel_loop3A_125 : vector<1x16xf32> to vector<16xf32>
        %parallel_loop3A_127 = arith.index_cast %parallel_loop3A_104 : i32 to index
        %parallel_loop3A_128 = arith.constant 32 : index
        %parallel_loop3A_129 = tpu.vector_load %arg8[%parallel_loop3A_127, %parallel_loop3A_128] {strides = array<i32>} : memref<200x64xf32, #tpu.memory_space<vmem>>, vector<1x16xf32>,
        %parallel_loop3A_130 = vector.shape_cast %parallel_loop3A_129 : vector<1x16xf32> to vector<16xf32>
        %parallel_loop3A_131 = vector.shape_cast %parallel_loop3A_126 : vector<16xf32> to vector<1x16xf32>
        tpu.vector_store %arg8[%parallel_loop3A_127, %parallel_loop3A_128], %parallel_loop3A_131 {add = true, strides = array<i32>} : memref<200x64xf32, #tpu.memory_space<vmem>>, vector<1x16xf32>,
        %parallel_loop3A_132 = arith.index_cast %parallel_loop3A_104 : i32 to index
        %parallel_loop3A_133 = arith.constant 48 : index
        %parallel_loop3A_134 = tpu.vector_load %arg10[%parallel_loop3A_132, %parallel_loop3A_133] {strides = array<i32>} : memref<200x64xf32, #tpu.memory_space<vmem>>, vector<1x16xf32>,
        %parallel_loop3A_135 = vector.shape_cast %parallel_loop3A_134 : vector<1x16xf32> to vector<16xf32>
        %parallel_loop3A_136 = arith.index_cast %parallel_loop3A_104 : i32 to index
        %parallel_loop3A_137 = arith.constant 48 : index
        %parallel_loop3A_138 = tpu.vector_load %arg8[%parallel_loop3A_136, %parallel_loop3A_137] {strides = array<i32>} : memref<200x64xf32, #tpu.memory_space<vmem>>, vector<1x16xf32>,
        %parallel_loop3A_139 = vector.shape_cast %parallel_loop3A_138 : vector<1x16xf32> to vector<16xf32>
        %parallel_loop3A_140 = vector.shape_cast %parallel_loop3A_135 : vector<16xf32> to vector<1x16xf32>
        tpu.vector_store %arg8[%parallel_loop3A_136, %parallel_loop3A_137], %parallel_loop3A_140 {add = true, strides = array<i32>} : memref<200x64xf32, #tpu.memory_space<vmem>>, vector<1x16xf32>,
      } {sc.loop_unroll_factor = 8 : i64, sc.parallel_access}
      %mul3A_53 = arith.constant 128 : i32
      %mul3A_54 = arith.muli %add3A, %mul3A_53 : i32
      %add3A_55 = arith.addi %mul3A_54, %add3A_32 : i32
      %dma_start3A_56 = arith.constant 0 : i32
      %dma_start3A_57 = arith.constant 0 : i32
      %dma_start3A_58 = tpu.memref_slice %arg5[%add3A_55, %dma_start3A_56, %dma_start3A_57] : memref<4096x200x64xf32, #tpu.memory_space<hbm>> -> memref<1x200x64xf32, #tpu.memory_space<hbm>>
      %dma_start3A_59 = tpu.memref_squeeze %dma_start3A_58 : memref<1x200x64xf32, #tpu.memory_space<hbm>> -> memref<200x64xf32, #tpu.memory_space<hbm>>
      %dma_start3A_60 = arith.constant 0 : i32
      %dma_start3A_61 = arith.constant 0 : i32
      %dma_start3A_62 = tpu.memref_slice %arg5[%add3A_55, %dma_start3A_60, %dma_start3A_61] : memref<4096x200x64xf32, #tpu.memory_space<hbm>> -> memref<1x200x64xf32, #tpu.memory_space<hbm>>
      %dma_start3A_63 = tpu.memref_squeeze %dma_start3A_62 : memref<1x200x64xf32, #tpu.memory_space<hbm>> -> memref<200x64xf32, #tpu.memory_space<hbm>>
      tpu.enqueue_dma source(%arg8 : memref<200x64xf32, #tpu.memory_space<vmem>>) target(%dma_start3A_63 : memref<200x64xf32, #tpu.memory_space<hbm>>) target_semaphore(%arg15 : memref<!tpu.dma_semaphore, #tpu.memory_space<semaphore_mem>>)
      %mul3A_64 = arith.constant 2 : i32
      %mul3A_65 = arith.muli %mul3A_64, %scan3A_28 : i32
      %add3A_66 = arith.constant 1 : i32
      %add3A_67 = arith.addi %mul3A_65, %add3A_66 : i32
      %dma_wait3A_68 = arith.constant 0 : i32
      %dma_wait3A_69 = arith.constant 0 : i32
      %dma_wait3A_70 = tpu.memref_slice %arg2[%dma_wait3A_68, %dma_wait3A_69] : memref<1000000x64xf32, #tpu.memory_space<hbm>> -> memref<1000000x64xf32, #tpu.memory_space<hbm>>
      tpu.wait_indirect_dma semaphore(%arg14 : memref<!tpu.dma_semaphore, #tpu.memory_space<semaphore_mem>>) src(%dma_wait3A_70 : memref<1000000x64xf32, #tpu.memory_space<hbm>>) dst(%arg9 : memref<200x64xf32, #tpu.memory_space<vmem>>)
      %add3A_71 = arith.constant 2 : i32
      %add3A_72 = arith.addi %add3A_67, %add3A_71 : i32
      %lt3A_73 = arith.constant 128 : i32
      %lt3A_74 = arith.cmpi slt, %add3A_72, %lt3A_73 : i32
      %convert_element_type3A_75 = arith.extui %lt3A_74 : i1 to i32
      %cond3A_76 = arith.constant 0 : i32
      %cond3A_77 = arith.cmpi ne, %convert_element_type3A_75, %cond3A_76 : i32
      scf.if %cond3A_77 {
        %add3A_104 = arith.constant 2 : i32
        %add3A_105 = arith.addi %add3A_67, %add3A_104 : i32
        %mul3A_106 = arith.constant 200 : i32
        %mul3A_107 = arith.muli %add3A_105, %mul3A_106 : i32
        %add3A_108 = arith.addi %mul3A_2, %mul3A_107 : i32
        %dma_start3A_109 = tpu.memref_slice %arg3[%add3A_108] : memref<819200xi32, #tpu.memory_space<hbm>> -> memref<200xi32, #tpu.memory_space<hbm>>
        %dma_start3A_110 = tpu.memref_slice %arg3[%add3A_108] : memref<819200xi32, #tpu.memory_space<hbm>> -> memref<200xi32, #tpu.memory_space<hbm>>
        tpu.enqueue_dma source(%dma_start3A_110 : memref<200xi32, #tpu.memory_space<hbm>>) target(%arg7 : memref<200xi32, #tpu.memory_space<vmem>>) target_semaphore(%arg12 : memref<!tpu.dma_semaphore, #tpu.memory_space<semaphore_mem>>)
      } else {
      }
      %ge3A_78 = arith.constant 1 : i32
      %ge3A_79 = arith.cmpi sge, %add3A_67, %ge3A_78 : i32
      %convert_element_type3A_80 = arith.extui %ge3A_79 : i1 to i32
      %cond3A_81 = arith.constant 0 : i32
      %cond3A_82 = arith.cmpi ne, %convert_element_type3A_80, %cond3A_81 : i32
      scf.if %cond3A_82 {
        %dma_wait3A_104 = arith.constant 0 : i32
        %dma_wait3A_105 = arith.constant 0 : i32
        %dma_wait3A_106 = arith.constant 0 : i32
        %dma_wait3A_107 = tpu.memref_slice %arg5[%dma_wait3A_104, %dma_wait3A_105, %dma_wait3A_106] : memref<4096x200x64xf32, #tpu.memory_space<hbm>> -> memref<1x200x64xf32, #tpu.memory_space<hbm>>
        %dma_wait3A_108 = tpu.memref_squeeze %dma_wait3A_107 : memref<1x200x64xf32, #tpu.memory_space<hbm>> -> memref<200x64xf32, #tpu.memory_space<hbm>>
        %dma_wait3A_109 = arith.constant 0 : i32
        %dma_wait3A_110 = arith.constant 0 : i32
        %dma_wait3A_111 = tpu.memref_slice %arg5[%dma_wait3A_104, %dma_wait3A_109, %dma_wait3A_110] : memref<4096x200x64xf32, #tpu.memory_space<hbm>> -> memref<1x200x64xf32, #tpu.memory_space<hbm>>
        %dma_wait3A_112 = tpu.memref_squeeze %dma_wait3A_111 : memref<1x200x64xf32, #tpu.memory_space<hbm>> -> memref<200x64xf32, #tpu.memory_space<hbm>>
        tpu.wait_dma2 semaphore(%arg15 : memref<!tpu.dma_semaphore, #tpu.memory_space<semaphore_mem>>) src(%arg8 : memref<200x64xf32, #tpu.memory_space<vmem>>) dst(%dma_wait3A_112 : memref<200x64xf32, #tpu.memory_space<hbm>>)
      } else {
      }
      %add3A_83 = arith.constant 1 : i32
      %add3A_84 = arith.addi %add3A_67, %add3A_83 : i32
      %lt3A_85 = arith.constant 128 : i32
      %lt3A_86 = arith.cmpi slt, %add3A_84, %lt3A_85 : i32
      %convert_element_type3A_87 = arith.extui %lt3A_86 : i1 to i32
      %cond3A_88 = arith.constant 0 : i32
      %cond3A_89 = arith.cmpi ne, %convert_element_type3A_87, %cond3A_88 : i32
      scf.if %cond3A_89 {
        %dma_wait3A_104 = tpu.memref_slice %arg3[%mul3A_2] : memref<819200xi32, #tpu.memory_space<hbm>> -> memref<200xi32, #tpu.memory_space<hbm>>
        %dma_wait3A_105 = tpu.memref_slice %arg3[%mul3A_2] : memref<819200xi32, #tpu.memory_space<hbm>> -> memref<200xi32, #tpu.memory_space<hbm>>
        tpu.wait_dma2 semaphore(%arg11 : memref<!tpu.dma_semaphore, #tpu.memory_space<semaphore_mem>>) src(%dma_wait3A_105 : memref<200xi32, #tpu.memory_space<hbm>>) dst(%arg6 : memref<200xi32, #tpu.memory_space<vmem>>)
        %dma_start3A_106 = arith.constant 0 : i32
        %dma_start3A_107 = arith.constant 0 : i32
        %dma_start3A_108 = tpu.memref_slice %arg2[%dma_start3A_106, %dma_start3A_107] : memref<1000000x64xf32, #tpu.memory_space<hbm>> -> memref<1000000x64xf32, #tpu.memory_space<hbm>>
        tpu.enqueue_indirect_dma source(%dma_start3A_108 : memref<1000000x64xf32, #tpu.memory_space<hbm>>) target(%arg8 : memref<200x64xf32, #tpu.memory_space<vmem>>) offsets(%arg6 : memref<200xi32, #tpu.memory_space<vmem>>) semaphore(%arg13 : memref<!tpu.dma_semaphore, #tpu.memory_space<semaphore_mem>>)
      } else {
      }
      %parallel_loop3A_90 = arith.constant 0 : i32
      %parallel_loop3A_91 = arith.constant 200 : i32
      %parallel_loop3A_92 = arith.constant 1 : i32
      scf.for %parallel_loop3A_104 = %parallel_loop3A_90 to %parallel_loop3A_91 step %parallel_loop3A_92  : i32 {
        %parallel_loop3A_105 = arith.index_cast %parallel_loop3A_104 : i32 to index
        %parallel_loop3A_106 = arith.constant 0 : index
        %parallel_loop3A_107 = tpu.vector_load %arg10[%parallel_loop3A_105, %parallel_loop3A_106] {strides = array<i32>} : memref<200x64xf32, #tpu.memory_space<vmem>>, vector<1x16xf32>,
        %parallel_loop3A_108 = vector.shape_cast %parallel_loop3A_107 : vector<1x16xf32> to vector<16xf32>
        %parallel_loop3A_109 = arith.index_cast %parallel_loop3A_104 : i32 to index
        %parallel_loop3A_110 = arith.constant 0 : index
        %parallel_loop3A_111 = tpu.vector_load %arg9[%parallel_loop3A_109, %parallel_loop3A_110] {strides = array<i32>} : memref<200x64xf32, #tpu.memory_space<vmem>>, vector<1x16xf32>,
        %parallel_loop3A_112 = vector.shape_cast %parallel_loop3A_111 : vector<1x16xf32> to vector<16xf32>
        %parallel_loop3A_113 = vector.shape_cast %parallel_loop3A_108 : vector<16xf32> to vector<1x16xf32>
        tpu.vector_store %arg9[%parallel_loop3A_109, %parallel_loop3A_110], %parallel_loop3A_113 {add = true, strides = array<i32>} : memref<200x64xf32, #tpu.memory_space<vmem>>, vector<1x16xf32>,
        %parallel_loop3A_114 = arith.index_cast %parallel_loop3A_104 : i32 to index
        %parallel_loop3A_115 = arith.constant 16 : index
        %parallel_loop3A_116 = tpu.vector_load %arg10[%parallel_loop3A_114, %parallel_loop3A_115] {strides = array<i32>} : memref<200x64xf32, #tpu.memory_space<vmem>>, vector<1x16xf32>,
        %parallel_loop3A_117 = vector.shape_cast %parallel_loop3A_116 : vector<1x16xf32> to vector<16xf32>
        %parallel_loop3A_118 = arith.index_cast %parallel_loop3A_104 : i32 to index
        %parallel_loop3A_119 = arith.constant 16 : index
        %parallel_loop3A_120 = tpu.vector_load %arg9[%parallel_loop3A_118, %parallel_loop3A_119] {strides = array<i32>} : memref<200x64xf32, #tpu.memory_space<vmem>>, vector<1x16xf32>,
        %parallel_loop3A_121 = vector.shape_cast %parallel_loop3A_120 : vector<1x16xf32> to vector<16xf32>
        %parallel_loop3A_122 = vector.shape_cast %parallel_loop3A_117 : vector<16xf32> to vector<1x16xf32>
        tpu.vector_store %arg9[%parallel_loop3A_118, %parallel_loop3A_119], %parallel_loop3A_122 {add = true, strides = array<i32>} : memref<200x64xf32, #tpu.memory_space<vmem>>, vector<1x16xf32>,
        %parallel_loop3A_123 = arith.index_cast %parallel_loop3A_104 : i32 to index
        %parallel_loop3A_124 = arith.constant 32 : index
        %parallel_loop3A_125 = tpu.vector_load %arg10[%parallel_loop3A_123, %parallel_loop3A_124] {strides = array<i32>} : memref<200x64xf32, #tpu.memory_space<vmem>>, vector<1x16xf32>,
        %parallel_loop3A_126 = vector.shape_cast %parallel_loop3A_125 : vector<1x16xf32> to vector<16xf32>
        %parallel_loop3A_127 = arith.index_cast %parallel_loop3A_104 : i32 to index
        %parallel_loop3A_128 = arith.constant 32 : index
        %parallel_loop3A_129 = tpu.vector_load %arg9[%parallel_loop3A_127, %parallel_loop3A_128] {strides = array<i32>} : memref<200x64xf32, #tpu.memory_space<vmem>>, vector<1x16xf32>,
        %parallel_loop3A_130 = vector.shape_cast %parallel_loop3A_129 : vector<1x16xf32> to vector<16xf32>
        %parallel_loop3A_131 = vector.shape_cast %parallel_loop3A_126 : vector<16xf32> to vector<1x16xf32>
        tpu.vector_store %arg9[%parallel_loop3A_127, %parallel_loop3A_128], %parallel_loop3A_131 {add = true, strides = array<i32>} : memref<200x64xf32, #tpu.memory_space<vmem>>, vector<1x16xf32>,
        %parallel_loop3A_132 = arith.index_cast %parallel_loop3A_104 : i32 to index
        %parallel_loop3A_133 = arith.constant 48 : index
        %parallel_loop3A_134 = tpu.vector_load %arg10[%parallel_loop3A_132, %parallel_loop3A_133] {strides = array<i32>} : memref<200x64xf32, #tpu.memory_space<vmem>>, vector<1x16xf32>,
        %parallel_loop3A_135 = vector.shape_cast %parallel_loop3A_134 : vector<1x16xf32> to vector<16xf32>
        %parallel_loop3A_136 = arith.index_cast %parallel_loop3A_104 : i32 to index
        %parallel_loop3A_137 = arith.constant 48 : index
        %parallel_loop3A_138 = tpu.vector_load %arg9[%parallel_loop3A_136, %parallel_loop3A_137] {strides = array<i32>} : memref<200x64xf32, #tpu.memory_space<vmem>>, vector<1x16xf32>,
        %parallel_loop3A_139 = vector.shape_cast %parallel_loop3A_138 : vector<1x16xf32> to vector<16xf32>
        %parallel_loop3A_140 = vector.shape_cast %parallel_loop3A_135 : vector<16xf32> to vector<1x16xf32>
        tpu.vector_store %arg9[%parallel_loop3A_136, %parallel_loop3A_137], %parallel_loop3A_140 {add = true, strides = array<i32>} : memref<200x64xf32, #tpu.memory_space<vmem>>, vector<1x16xf32>,
      } {sc.loop_unroll_factor = 8 : i64, sc.parallel_access}
      %mul3A_93 = arith.constant 128 : i32
      %mul3A_94 = arith.muli %add3A, %mul3A_93 : i32
      %add3A_95 = arith.addi %mul3A_94, %add3A_67 : i32
      %dma_start3A_96 = arith.constant 0 : i32
      %dma_start3A_97 = arith.constant 0 : i32
      %dma_start3A_98 = tpu.memref_slice %arg5[%add3A_95, %dma_start3A_96, %dma_start3A_97] : memref<4096x200x64xf32, #tpu.memory_space<hbm>> -> memref<1x200x64xf32, #tpu.memory_space<hbm>>
      %dma_start3A_99 = tpu.memref_squeeze %dma_start3A_98 : memref<1x200x64xf32, #tpu.memory_space<hbm>> -> memref<200x64xf32, #tpu.memory_space<hbm>>
      %dma_start3A_100 = arith.constant 0 : i32
      %dma_start3A_101 = arith.constant 0 : i32
      %dma_start3A_102 = tpu.memref_slice %arg5[%add3A_95, %dma_start3A_100, %dma_start3A_101] : memref<4096x200x64xf32, #tpu.memory_space<hbm>> -> memref<1x200x64xf32, #tpu.memory_space<hbm>>
      %dma_start3A_103 = tpu.memref_squeeze %dma_start3A_102 : memref<1x200x64xf32, #tpu.memory_space<hbm>> -> memref<200x64xf32, #tpu.memory_space<hbm>>
      tpu.enqueue_dma source(%arg9 : memref<200x64xf32, #tpu.memory_space<vmem>>) target(%dma_start3A_103 : memref<200x64xf32, #tpu.memory_space<hbm>>) target_semaphore(%arg16 : memref<!tpu.dma_semaphore, #tpu.memory_space<semaphore_mem>>)
    }
    %scan3A_18 = arith.constant 64 : i32
    %dma_wait3A_19 = arith.constant 0 : i32
    %dma_wait3A_20 = arith.constant 0 : i32
    %dma_wait3A_21 = arith.constant 0 : i32
    %dma_wait3A_22 = tpu.memref_slice %arg5[%dma_wait3A_19, %dma_wait3A_20, %dma_wait3A_21] : memref<4096x200x64xf32, #tpu.memory_space<hbm>> -> memref<1x200x64xf32, #tpu.memory_space<hbm>>
    %dma_wait3A_23 = tpu.memref_squeeze %dma_wait3A_22 : memref<1x200x64xf32, #tpu.memory_space<hbm>> -> memref<200x64xf32, #tpu.memory_space<hbm>>
    %dma_wait3A_24 = arith.constant 0 : i32
    %dma_wait3A_25 = arith.constant 0 : i32
    %dma_wait3A_26 = tpu.memref_slice %arg5[%dma_wait3A_19, %dma_wait3A_24, %dma_wait3A_25] : memref<4096x200x64xf32, #tpu.memory_space<hbm>> -> memref<1x200x64xf32, #tpu.memory_space<hbm>>
    %dma_wait3A_27 = tpu.memref_squeeze %dma_wait3A_26 : memref<1x200x64xf32, #tpu.memory_space<hbm>> -> memref<200x64xf32, #tpu.memory_space<hbm>>
    tpu.wait_dma2 semaphore(%arg16 : memref<!tpu.dma_semaphore, #tpu.memory_space<semaphore_mem>>) src(%arg9 : memref<200x64xf32, #tpu.memory_space<vmem>>) dst(%dma_wait3A_27 : memref<200x64xf32, #tpu.memory_space<hbm>>)
    return
  }
}

</mosaic_0001>

<sc_bundles>
// kernel: _gather.3.cloned.1.call-start
scs
__scs_entry_jumppad:
0x0: {  	(pc) =	sbr.rel $0x88, $3  }
0x1: {  	(tag) =	ssettag $0x0;
	lr =	simm.s32 $0x1  }
0x2: {  	[smem:$0x3F9E] =	sst lr;
	_ =	strace $0xD0000000  }
0x3: {  	_ = 	snop  }
0x4: {  	_ = 	snop  }
0x5: {  	_ = 	snop  }
0x6: {  	_ = 	snop  }
0x7: {  	_ = 	snop  }
__scs_overlays_trampoline_lowered:
0x8: {  	[smem:$0x3FAD] =	sst s0  }
0x9: {  	[smem:$0x3FAE] =	sst s1  }
0xa: {  	[smem:$0x3FAF] =	sst s2  }
0xb: {  	[smem:$0x3FB0] =	sst s3  }
0xc: {  	[smem:$0x3FB1] =	sst s4  }
0xd: {  	[smem:$0x3FB2] =	sst s5  }
0xe: {  	[smem:$0x3FB3] =	sst s6  }
0xf: {  	[smem:$0x3FB4] =	sst s7  }
0x10: {  	[smem:$0x3FB5] =	sst s8  }
0x11: {  	[smem:$0x3FB6] =	sst s9;
	s0 =	simm.s32 @!p0 $0x0  }
0x12: {  	s1 =	sld [smem:$0x3F9C];
	s0 =	simm.s32 @p0 $0x1  }
0x13: {  	[smem:$0x3FB7] =	sst s0;
	s0 =	simm.s32 @!p1 $0x0  }
0x14: {  	s2 =	sld [smem:$0x3F9B];
	s0 =	simm.s32 @p1 $0x1  }
0x15: {  	[smem:$0x3FB8] =	sst s0;
	s0 =	simm.s32 @!p2 $0x0  }
0x16: {  	s3 =	sld [smem:$0x3FDB];
	s0 =	simm.s32 @p2 $0x1  }
0x17: {  	s4 =	simm.s32 $0x1BF5;
	[smem:$0x3FBA] =	sst s0  }
0x18: {  	s0 =	sld [smem:$0x3F9D];
	_ =	swait.ge [sflag:s4], $0x0  }
0x19: {  	s7 =	sld [smem:$0x3F9E]  }
0x1a: {  	s8 =	sadd.s32 $0xFFFFE003, lr  }
0x1b: {  	s9 =	sadd.s32 $0xFFFFFEF7, lr;
	s5 =	simm.s32 $0xFFFFFFFF;
	p2 =	slt.u32 s8, $0xFFFFF086  }
0x1c: {  	p1 =	slt.u32 s9, $0xF7A;
	s5 =	simm.s32 @!p2 $0x0  }
0x1d: {  	s5 =	simm.s32 @p1 $0x1;
	p0 =	seq.s32 s7, s2  }
0x1e: {  	s7 =	smul.u32 @!p0 $0xF7A, s2;
	p2 =	seq.s32 @!p0 s5, $0x0  }
0x1f: {  	s9 =	smul.u32 $0xF7A, s1;
	s8 =	simm.s32 @!p0 $0x1BF5;
	p2 =	por !p2, p0  }
0x20: {  	[sflag:s8] =	ssyncset.s32 @!p0 $0xFFFFF086;
	s6 =	sadd.s32 @!p0 s3, s7;
	s7 =	simm.s32 @!p0 $0x108  }
0x21: {  	s3 =	sadd.s32 s3, s9;
	s6 =	sadd.s32 @!p0 $0x88, s6;
	s7 =	simm.s32 @p2 $0x1082  }
0x22: {  	[simem:s7], [sflag:s8] =	dma.local @!p0 [hbm:s6], $0xF7A  }
0x23: {  	s9 =	sor.u32 $0xD0000000, s2;
	s6 =	simm.s32 $0x108;
	_ =	swait.ge @!p0 [sflag:s8], $0x0  }
0x24: {  	s3 =	sadd.s32 $0x88, s3;
	s6 =	simm.s32 @!p1 $0x1082;
	[sflag:s4] =	ssyncset.s32 $0xFFFFF086  }
0x25: {  	[simem:s6], [sflag:s4] =	dma.local [hbm:s3], $0xF7A  }
0x26: {  	[smem:$0x3F9E] =	sst s1;
	(tag) =	ssettag s2;
	_ =	strace s9  }
0x27: {  	s1 =	sld [smem:$0x3FAE]  }
0x28: {  	s2 =	sld [smem:$0x3FAF]  }
0x29: {  	s4 =	sld [smem:$0x3FB1]  }
0x2a: {  	p0 =	seq.s32 s5, $0x0;
	s5 =	sld [smem:$0x3FB2]  }
0x2b: {  	s6 =	sld [smem:$0x3FB3]  }
0x2c: {  	s7 =	sld [smem:$0x3FB4]  }
0x2d: {  	s3 =	simm.s32 $0x108;
	s8 =	sld [smem:$0x3FB5]  }
0x2e: {  	s3 =	simm.s32 @!p0 $0x1082;
	s9 =	sld [smem:$0x3FB6]  }
0x2f: {  	lr =	sadd.s32 s0, s3;
	s0 =	sld [smem:$0x3FAD]  }
0x30: {  	s3 =	sld [smem:$0x3FB0]  }
0x31: {  	[smem:$0x3FB9] =	sst s10  }
0x32: {  	s10 =	sld [smem:$0x3FB7];
	_ =	sdelay $0x3  }
0x33: {  	p0 =	seq.s32 s10, $0x1;
	s10 =	sld [smem:$0x3FB9];
	_ =	sdelay $0x3  }
0x34: {  	[smem:$0x3FB9] =	sst s10  }
0x35: {  	s10 =	sld [smem:$0x3FB8];
	_ =	sdelay $0x3  }
0x36: {  	p1 =	seq.s32 s10, $0x1;
	s10 =	sld [smem:$0x3FB9];
	_ =	sdelay $0x3  }
0x37: {  	[smem:$0x3FB9] =	sst s10  }
0x38: {  	s10 =	sld [smem:$0x3FBA]  }
0x39: {  	_ = 	snop;
	(pc) =	sbr.ind lr, $3  }
0x3a: {  	_ = 	snop  }
0x3b: {  	_ = 	snop  }
0x3c: {  	p2 =	seq.s32 s10, $0x1;
	s10 =	sld [smem:$0x3FB9]  }
0x3d: {  	_ =	shalt  }
0x3e: {  	_ =	shalt  }
0x3f: {  	_ =	shalt  }
0x40: {  	_ =	shalt  }
0x41: {  	_ =	shalt  }
0x42: {  	_ =	shalt  }
0x43: {  	_ =	shalt  }
0x44: {  	_ =	shalt  }
0x45: {  	_ =	shalt  }
0x46: {  	_ =	shalt  }
0x47: {  	_ =	shalt  }
0x48: {  	_ =	shalt  }
0x49: {  	_ =	shalt  }
0x4a: {  	_ =	shalt  }
0x4b: {  	_ =	shalt  }
0x4c: {  	_ =	shalt  }
0x4d: {  	_ =	shalt  }
0x4e: {  	_ =	shalt  }
0x4f: {  	_ =	shalt  }
0x50: {  	_ =	shalt  }
0x51: {  	_ =	shalt  }
0x52: {  	_ =	shalt  }
0x53: {  	_ =	shalt  }
0x54: {  	_ =	shalt  }
0x55: {  	_ =	shalt  }
0x56: {  	_ =	shalt  }
0x57: {  	_ =	shalt  }
0x58: {  	_ =	shalt  }
0x59: {  	_ =	shalt  }
0x5a: {  	_ =	shalt  }
0x5b: {  	_ =	shalt  }
0x5c: {  	_ =	shalt  }
0x5d: {  	_ =	shalt  }
0x5e: {  	_ =	shalt  }
0x5f: {  	_ =	shalt  }
0x60: {  	_ =	shalt  }
0x61: {  	_ =	shalt  }
0x62: {  	_ =	shalt  }
0x63: {  	_ =	shalt  }
0x64: {  	_ =	shalt  }
0x65: {  	_ =	shalt  }
0x66: {  	_ =	shalt  }
0x67: {  	_ =	shalt  }
0x68: {  	_ =	shalt  }
0x69: {  	_ =	shalt  }
0x6a: {  	_ =	shalt  }
0x6b: {  	_ =	shalt  }
0x6c: {  	_ =	shalt  }
0x6d: {  	_ =	shalt  }
0x6e: {  	_ =	shalt  }
0x6f: {  	_ =	shalt  }
0x70: {  	_ =	shalt  }
0x71: {  	_ =	shalt  }
0x72: {  	_ =	shalt  }
0x73: {  	_ =	shalt  }
0x74: {  	_ =	shalt  }
0x75: {  	_ =	shalt  }
0x76: {  	_ =	shalt  }
0x77: {  	_ =	shalt  }
0x78: {  	_ =	shalt  }
0x79: {  	_ =	shalt  }
0x7a: {  	_ =	shalt  }
0x7b: {  	_ =	shalt  }
0x7c: {  	_ =	shalt  }
0x7d: {  	_ =	shalt  }
0x7e: {  	_ =	shalt  }
0x7f: {  	_ =	shalt  }
0x80: {  	_ =	shalt  }
0x81: {  	_ =	shalt  }
0x82: {  	_ =	shalt  }
0x83: {  	_ =	shalt  }
0x84: {  	_ =	shalt  }
0x85: {  	_ =	shalt  }
0x86: {  	_ =	shalt  }
0x87: {  	_ =	shalt  }
.Lfunc_end0:
.L_simem_size_0:
called_computation.1_lowered:
.L_overlay_start_0:
0x88: {  	s2 =	sld [smem:$0x3FD9]  }
0x89: {  	s3 =	sld [smem:$0x3FFE];
	_ =	sdelay $0x1  }
0x8a: {  	s1 =	srdreg.scid  }
0x8b: {  	s0 =	sand.u32 $0x1, s1  }
0x8c: {  	s17 =	sshll.u32 s0, $0xA;
	s2 =	sadd.s32 s3, s2  }
0x8d: {  	s2 =	sadd.s32 s2, s17  }
0x8e: {  	[smem:$0x3FC5] =	sst s2  }
0x8f: {  	_ = 	snop  }
0x90: {  	s2 =	sld [smem:$0x3FC9]  }
0x91: {  	s18 =	sld [smem:$0x3FD0];
	(tm) =	ssettm $0x1  }
0x92: {  	s4 =	sld [smem:$0x3FFB];
	_ =	sdelay $0x3  }
0x93: {  	_ =	strace s4  }
0x94: {  	s4 =	sld [smem:$0x3FFC];
	_ =	sdelay $0x3  }
0x95: {  	_ =	strace s4  }
0x96: {  	s4 =	sld [smem:$0x3FFD];
	_ =	sdelay $0x3  }
0x97: {  	_ =	strace s4  }
0x98: {  	_ =	strace $0x8FFFFFFF  }
0x99: {  	s19 =	sld [smem:$0x3FDB];
	_ =	sdelay $0x1  }
0x9a: {  	s5 =	simm.s32 $_scs_section_size  }
0x9b: {  	s6 =	simm.s32 $_size__tile_overlayer_lowered;
	s7 =	simm.s32 $_tile_overlayer_lowered  }
0x9c: {  	s22 =	simm.s32 $0x1BFF;
	s21 =	sshll.u32 s7, $0x1;
	s4 =	sadd.s32 s5, s19  }
0x9d: {  	s8 =	simm.s32 $0x0;
	s20 =	sshll.u32 s6, $0x1;
	s6 =	sadd.s32 s21, s4  }
0x9e: {  	[timem:s8], [sflag:s22] =	dma.local [hbm:s6], s20  }
0x9f: {  	_ =	swait.ge [sflag:s22], s20  }
0xa0: {  	s5 =	ssub.s32 $0x0, s20;
	[sflag:s22] =	ssyncset.done $0x0  }
0xa1: {  	[sflag:s22] =	ssyncadd.s32 s5;
	_ =	sdelay $0x1  }
0xa2: {  	s23 =	simm.s32 $0x1B8B  }
0xa3: {  	_ =	swait.ge [sflag:s23], $0x1  }
0xa4: {  	[sflag:s23] =	ssyncset.done $0x0  }
0xa5: {  	s25 =	simm.s32 $0x1B8E;
	s24 =	sld [smem:$0x3FFE];
	[sflag:s23] =	ssyncadd.s32 $0xFFFFFFFF  }
0xa6: {  	s26 =	simm.s32 $execute0_lowered;
	[smem:$0x3FD2] =	sst s25  }
0xa7: {  	s6 =	sshll.u32 s26, $0x1;
	_ =	strace $0x80000046;
	[dreg:$0x1] =	wrdreg $0xFFFFFFFF  }
0xa8: {  	s28 =	simm.s32 $_size_execute0_lowered;
	s4 =	sadd.s32 s4, s6;
	[dreg:$0x0] =	wrdreg $0x0  }
0xa9: {  	s6 =	sshll.u32 s28, $0x1;
	[dreg:$0x2] =	wrdreg s4  }
0xaa: {  	[dreg:$0x3] =	wrdreg s6  }
0xab: {  	[dreg:$0x4] =	wrdreg $0xC0  }
0xac: {  	_ =	task [dreg:s8], $0x5FFFF  }
0xad: {  	[dreg:$0x1] =	wrdreg $0xFFFFFFFF  }
0xae: {  	[dreg:$0x0] =	wrdreg $0x60  }
0xaf: {  	[dreg:$0x2] =	wrdreg s24  }
0xb0: {  	[dreg:$0x3] =	wrdreg s2  }
0xb1: {  	[dreg:$0x4] =	wrdreg s18  }
0xb2: {  	[dreg:$0x5] =	wrdreg $0x9  }
0xb3: {  	_ =	task.clear_ibuf [dreg:s8], $0x6FFFF;
	_ =	strace $0x90000046  }
0xb4: {  	s29 =	simm.s32 $0x9;
	_ =	strace $0x80000048  }
0xb5: {  	_ =	swait.ge [sflag:s29], $0x1  }
0xb6: {  	[sflag:s29] =	ssyncadd.s32 $0xFFFFFFFF  }
0xb7: {  	_ =	strace $0x90000048  }
0xb8: {  	_ =	sfence  }
0xb9: {  	s30 =	sld [smem:$0x0];
	_ =	sdelay $0x2  }
0xba: {  	s31 =	sshll.u32 s1, $0xD;
	s1 =	sshrl.u32 s1, $0x2  }
0xbb: {  	s3 =	sand.u32 $0x4000, s31;
	s1 =	sadd.s32 s1, s30  }
0xbc: {  	s0 =	sor.u32 s3, s0;
	s1 =	sshll.u32 s1, $0x11  }
0xbd: {  	s0 =	sor.u32 s1, s0  }
0xbe: {  	s0 =	sadd.s32 $0x8F2B, s0  }
0xbf: {  	[sflag:s0] =	ssyncadd.remote.s32 $0x1  }
0xc0: {  	_ =	sfence.sel $0xFFFF  }
0xc1: {  	[dreg:$0x0] =	wrdreg $0xFFFFFFFF;
	(pc) =	sbr.abs _section_cstart, $3  }
0xc2: {  	[dreg:$0x1] =	wrdreg $0xFFFFFFFF  }
0xc3: {  	_ =	task.clear_ibuf [dreg:s8], $0x2FFFF;
	_ =	strace $0x9FFFFFFF  }
0xc4: {  	(tm) =	ssettm $0x7FFFFFFF  }
0xc5: {  	_ =	shalt  }
tec
execute0_lowered:
.L_overlay_start_1:
0x0: {  	(tag) =	ssettag $0x1  }
0x1: {  	s7 =	rddreg [dreg:$0x0]  }
0x2: {  	s1 =	srdreg.scid;
	s2 =	rddreg [dreg:$0x1]  }
0x3: {  	s0 =	stileid.u32;
	s3 =	rddreg [dreg:$0x2];
	s4 =	simm.s32 $0x0  }
0x4: {  	s13 =	simm.s32 $0x6590;
	s14 =	simm.s32 $0x7;
	s15 =	simm.s32 $0xC8  }
0x5: {  	s16 =	simm.s32 $0x1;
	s17 =	simm.s32 $0x190;
	s18 =	simm.s32 $0x3  }
0x6: {  	s19 =	simm.s32 $0x2;
	s20 =	simm.s32 $0x3390;
	s21 =	simm.s32 $0x4  }
0x7: {  	s22 =	simm.s32 $0x6;
	s5 =	sand.u32 $0x1, s1;
	s31 =	sshll.u32 s0, $0x1  }
0x8: {  	s23 =	simm.s32 $0x0;
	[smem:$0x7FF] =	sst s4;
	s10 =	sor.u32 s5, s31  }
0x9: {  	s1 =	rddreg [dreg:$0x3];
	_ =	strace $0x80000047;
	s11 =	smul.u32 $0x6400, s10  }
0xa: {  	s8 =	ssub.s32 $0x2, s5;
	s5 =	sadd.s32 $0xF42E00, s7;
	s7 =	sadd.s32 $0xA00, s7  }
0xb: {  	s9 =	sshrl.u32 s8, $0x1;
	s10 =	sshll.u32 s10, $0x7;
	s6 =	sshrl.u32 s11, $0x3  }
0xc: {  	s12 =	ssub.s32 s8, s9;
	s9 =	sor.u32 $0x190, s11;
	s6 =	sadd.s32 s2, s6  }
0xd: {  	s11 =	sor.u32 $0x258, s11;
	s12 =	smax.u32 s12, $0x1;
	s8 =	sadd.s32 $0x19, s6  }
.LBB2_1:
0xe: {  	[tilespmem:s13], [sflag:$0x7] =	stream.linear.gather [hbm4b:s7+s4], $0x3200, $0x38;
	[tilespmem:$0x9790] =	vst v63  }
0xf: {  	_ =	swait.ge [sflag:s14], $0x3200  }
0x10: {  	[sflag:s14] =	ssyncset.done $0x0  }
0x11: {  	[sflag:s14] =	ssyncadd.s32 $0xFFFFCE00  }
0x12: {  	[tilespmem:s4], [sflag:$0x1] =	stream.linear.gather [hbm4b:s6+s4], $0xC8, $0x38;
	[tilespmem:$0x9790] =	vst v63  }
0x13: {  	_ = 	snop  }
0x14: {  	[tilespmem:s15], [sflag:$0x2] =	stream.linear.gather [hbm4b:s8+s4], $0xC8, $0x38;
	[tilespmem:$0x9790] =	vst v63  }
0x15: {  	_ =	swait.ge [sflag:s16], $0xC8  }
0x16: {  	[sflag:s16] =	ssyncset.done $0x0  }
0x17: {  	s24 =	simm.s32 $0x0;
	[sflag:s16] =	ssyncadd.s32 $0xFFFFFF38  }
0x18: {  	[tilespmem:s17], [sflag:$0x3] =	stream.indirect.gather [hbm4b:s5+s15], $0x40, s4, s15, $0xb8;
	[tilespmem:$0x9790] =	vst v63  }
.LBB2_2:
0x19: {  	p0 =	seq.s32 s24, $0x3F  }
0x1a: {  	s25 =	smul.u32 @!p0 $0x190, s24;
	_ =	sdelay $0x1  }
0x1b: {  	_ =	swait.ge [sflag:s18], $0x3200;
	s25 =	sadd.s32 @!p0 s25, s9  }
0x1c: {  	[sflag:s18] =	ssyncset.done $0x0;
	s26 =	simm.s32 @!p0 $0x0;
	s25 =	sshrl.u32 @!p0 s25, $0x3  }
0x1d: {  	p1 =	seq.s32 @!p0 s24, $0x0;
	[sflag:s18] =	ssyncadd.s32 $0xFFFFCE00;
	s25 =	sadd.s32 @!p0 s2, s25  }
0x1e: {  	[tilespmem:s26], [sflag:$0x1] =	stream.linear.gather @!p0 [hbm4b:s25+s26], $0xC8, $0x38;
	[tilespmem:$0x9790] =	vst v63  }
0x1f: {  	p0 =	por p0, !p1  }
0x20: {  	_ =	swait.ge @p0 [sflag:s22], $0x3200  }
0x21: {  	[sflag:s22] =	ssyncset.done @p0 $0x0  }
0x22: {  	[sflag:s22] =	ssyncadd.s32 @p0 $0xFFFFCE00  }
0x23: {  	_ =	swait.ge [sflag:s19], $0xC8  }
0x24: {  	[sflag:s19] =	ssyncset.done $0x0  }
0x25: {  	s26 =	simm.s32 $0x0;
	[sflag:s19] =	ssyncadd.s32 $0xFFFFFF38  }
0x26: {  	[tilespmem:s20], [sflag:$0x4] =	stream.indirect.gather [hbm4b:s5+s15], $0x40, s15, s15, $0xb8;
	[tilespmem:$0x9790] =	vst v63  }
0x27: {  	v0 =	vld [tilespmem:s26+$0x6780]  }
0x28: {  	v1 =	vld [tilespmem:s26+$0x6590]  }
0x29: {  	v2 =	vld [tilespmem:s26+$0x65A0]  }
0x2a: {  	v3 =	vld [tilespmem:s26+$0x65B0]  }
0x2b: {  	v4 =	vld [tilespmem:s26+$0x65C0]  }
0x2c: {  	v5 =	vld [tilespmem:s26+$0x65D0]  }
0x2d: {  	v6 =	vld [tilespmem:s26+$0x65E0]  }
0x2e: {  	v7 =	vld [tilespmem:s26+$0x65F0]  }
0x2f: {  	v8 =	vld [tilespmem:s26+$0x6600]  }
0x30: {  	v9 =	vld [tilespmem:s26+$0x6610]  }
0x31: {  	v10 =	vld [tilespmem:s26+$0x6620]  }
0x32: {  	v11 =	vld [tilespmem:s26+$0x6630]  }
0x33: {  	v12 =	vld [tilespmem:s26+$0x6640]  }
0x34: {  	v13 =	vld [tilespmem:s26+$0x6650]  }
0x35: {  	v14 =	vld [tilespmem:s26+$0x6660]  }
0x36: {  	v15 =	vld [tilespmem:s26+$0x6670]  }
0x37: {  	v16 =	vld [tilespmem:s26+$0x6680]  }
0x38: {  	v17 =	vld [tilespmem:s26+$0x6690]  }
0x39: {  	v18 =	vld [tilespmem:s26+$0x66A0]  }
0x3a: {  	v19 =	vld [tilespmem:s26+$0x66B0]  }
0x3b: {  	v20 =	vld [tilespmem:s26+$0x66C0]  }
0x3c: {  	v21 =	vld [tilespmem:s26+$0x66D0]  }
0x3d: {  	v22 =	vld [tilespmem:s26+$0x66E0]  }
0x3e: {  	v23 =	vld [tilespmem:s26+$0x66F0]  }
0x3f: {  	v24 =	vld [tilespmem:s26+$0x6700]  }
0x40: {  	v25 =	vld [tilespmem:s26+$0x6710]  }
0x41: {  	v26 =	vld [tilespmem:s26+$0x6720]  }
0x42: {  	v27 =	vld [tilespmem:s26+$0x6730]  }
0x43: {  	v28 =	vld [tilespmem:s26+$0x6740]  }
0x44: {  	v29 =	vld [tilespmem:s26+$0x6750]  }
0x45: {  	v30 =	vld [tilespmem:s26+$0x6760]  }
0x46: {  	[tilespmem:s26+$0x380] =	vst.add.f32.msk $0xffff, v0  }
0x47: {  	v0 =	vld [tilespmem:s26+$0x6770]  }
0x48: {  	[tilespmem:s26+$0x190] =	vst.add.f32.msk $0xffff, v1  }
0x49: {  	[tilespmem:s26+$0x1A0] =	vst.add.f32.msk $0xffff, v2  }
0x4a: {  	[tilespmem:s26+$0x1B0] =	vst.add.f32.msk $0xffff, v3  }
0x4b: {  	[tilespmem:s26+$0x1C0] =	vst.add.f32.msk $0xffff, v4  }
0x4c: {  	[tilespmem:s26+$0x1D0] =	vst.add.f32.msk $0xffff, v5  }
0x4d: {  	[tilespmem:s26+$0x1E0] =	vst.add.f32.msk $0xffff, v6  }
0x4e: {  	[tilespmem:s26+$0x1F0] =	vst.add.f32.msk $0xffff, v7  }
0x4f: {  	[tilespmem:s26+$0x200] =	vst.add.f32.msk $0xffff, v8  }
0x50: {  	[tilespmem:s26+$0x210] =	vst.add.f32.msk $0xffff, v9  }
0x51: {  	[tilespmem:s26+$0x220] =	vst.add.f32.msk $0xffff, v10  }
0x52: {  	[tilespmem:s26+$0x230] =	vst.add.f32.msk $0xffff, v11  }
0x53: {  	[tilespmem:s26+$0x240] =	vst.add.f32.msk $0xffff, v12  }
0x54: {  	[tilespmem:s26+$0x250] =	vst.add.f32.msk $0xffff, v13  }
0x55: {  	[tilespmem:s26+$0x260] =	vst.add.f32.msk $0xffff, v14  }
0x56: {  	[tilespmem:s26+$0x270] =	vst.add.f32.msk $0xffff, v15  }
0x57: {  	[tilespmem:s26+$0x280] =	vst.add.f32.msk $0xffff, v16  }
0x58: {  	[tilespmem:s26+$0x290] =	vst.add.f32.msk $0xffff, v17  }
0x59: {  	[tilespmem:s26+$0x2A0] =	vst.add.f32.msk $0xffff, v18  }
0x5a: {  	[tilespmem:s26+$0x2B0] =	vst.add.f32.msk $0xffff, v19  }
0x5b: {  	[tilespmem:s26+$0x2C0] =	vst.add.f32.msk $0xffff, v20  }
0x5c: {  	[tilespmem:s26+$0x2D0] =	vst.add.f32.msk $0xffff, v21  }
0x5d: {  	[tilespmem:s26+$0x2E0] =	vst.add.f32.msk $0xffff, v22  }
0x5e: {  	[tilespmem:s26+$0x2F0] =	vst.add.f32.msk $0xffff, v23  }
0x5f: {  	[tilespmem:s26+$0x300] =	vst.add.f32.msk $0xffff, v24  }
0x60: {  	[tilespmem:s26+$0x310] =	vst.add.f32.msk $0xffff, v25  }
0x61: {  	[tilespmem:s26+$0x320] =	vst.add.f32.msk $0xffff, v26  }
0x62: {  	[tilespmem:s26+$0x330] =	vst.add.f32.msk $0xffff, v27  }
0x63: {  	[tilespmem:s26+$0x340] =	vst.add.f32.msk $0xffff, v28  }
0x64: {  	[tilespmem:s26+$0x350] =	vst.add.f32.msk $0xffff, v29  }
0x65: {  	s28 =	simm.s32 $0x0;
	s29 =	simm.s32 $0x800;
	s25 =	sshll.u32 s24, $0x1;
	[tilespmem:s26+$0x360] =	vst.add.f32.msk $0xffff, v30  }
.LBB2_3:
0x66: {  	s28 =	sadd.s32 $0x8, s28;
	[tilespmem:s26+$0x370] =	vst.add.f32.msk $0xffff, v0;
	s26 =	sshra.s32 s29, $0x2  }
0x67: {  	v0 =	vld [tilespmem:s26+$0x6780];
	p0 =	slt.u32 s28, $0xC0  }
0x68: {  	v1 =	vld [tilespmem:s26+$0x6590]  }
0x69: {  	v2 =	vld [tilespmem:s26+$0x65A0]  }
0x6a: {  	v3 =	vld [tilespmem:s26+$0x65B0]  }
0x6b: {  	v4 =	vld [tilespmem:s26+$0x65C0]  }
0x6c: {  	[tilespmem:s26+$0x380] =	vst.add.f32.msk $0xffff, v0  }
0x6d: {  	v5 =	vld [tilespmem:s26+$0x65D0]  }
0x6e: {  	v6 =	vld [tilespmem:s26+$0x65E0]  }
0x6f: {  	v7 =	vld [tilespmem:s26+$0x65F0]  }
0x70: {  	v8 =	vld [tilespmem:s26+$0x6600]  }
0x71: {  	v9 =	vld [tilespmem:s26+$0x6610]  }
0x72: {  	v10 =	vld [tilespmem:s26+$0x6620]  }
0x73: {  	v11 =	vld [tilespmem:s26+$0x6630]  }
0x74: {  	v12 =	vld [tilespmem:s26+$0x6640]  }
0x75: {  	v13 =	vld [tilespmem:s26+$0x6650]  }
0x76: {  	v14 =	vld [tilespmem:s26+$0x6660]  }
0x77: {  	v15 =	vld [tilespmem:s26+$0x6670]  }
0x78: {  	v16 =	vld [tilespmem:s26+$0x6680]  }
0x79: {  	v17 =	vld [tilespmem:s26+$0x6690]  }
0x7a: {  	v18 =	vld [tilespmem:s26+$0x66A0]  }
0x7b: {  	v19 =	vld [tilespmem:s26+$0x66B0]  }
0x7c: {  	v20 =	vld [tilespmem:s26+$0x66C0]  }
0x7d: {  	v21 =	vld [tilespmem:s26+$0x66D0]  }
0x7e: {  	v22 =	vld [tilespmem:s26+$0x66E0]  }
0x7f: {  	v23 =	vld [tilespmem:s26+$0x66F0]  }
0x80: {  	v24 =	vld [tilespmem:s26+$0x6700]  }
0x81: {  	v25 =	vld [tilespmem:s26+$0x6710]  }
0x82: {  	v26 =	vld [tilespmem:s26+$0x6720]  }
0x83: {  	v27 =	vld [tilespmem:s26+$0x6730]  }
0x84: {  	v28 =	vld [tilespmem:s26+$0x6740]  }
0x85: {  	v29 =	vld [tilespmem:s26+$0x6750]  }
0x86: {  	v30 =	vld [tilespmem:s26+$0x6760]  }
0x87: {  	v0 =	vld [tilespmem:s26+$0x6770]  }
0x88: {  	[tilespmem:s26+$0x190] =	vst.add.f32.msk $0xffff, v1  }
0x89: {  	[tilespmem:s26+$0x1A0] =	vst.add.f32.msk $0xffff, v2  }
0x8a: {  	[tilespmem:s26+$0x1B0] =	vst.add.f32.msk $0xffff, v3  }
0x8b: {  	[tilespmem:s26+$0x1C0] =	vst.add.f32.msk $0xffff, v4  }
0x8c: {  	[tilespmem:s26+$0x1D0] =	vst.add.f32.msk $0xffff, v5  }
0x8d: {  	[tilespmem:s26+$0x1E0] =	vst.add.f32.msk $0xffff, v6  }
0x8e: {  	[tilespmem:s26+$0x1F0] =	vst.add.f32.msk $0xffff, v7  }
0x8f: {  	[tilespmem:s26+$0x200] =	vst.add.f32.msk $0xffff, v8  }
0x90: {  	[tilespmem:s26+$0x210] =	vst.add.f32.msk $0xffff, v9  }
0x91: {  	[tilespmem:s26+$0x220] =	vst.add.f32.msk $0xffff, v10  }
0x92: {  	[tilespmem:s26+$0x230] =	vst.add.f32.msk $0xffff, v11  }
0x93: {  	[tilespmem:s26+$0x240] =	vst.add.f32.msk $0xffff, v12  }
0x94: {  	[tilespmem:s26+$0x250] =	vst.add.f32.msk $0xffff, v13  }
0x95: {  	[tilespmem:s26+$0x260] =	vst.add.f32.msk $0xffff, v14  }
0x96: {  	[tilespmem:s26+$0x270] =	vst.add.f32.msk $0xffff, v15  }
0x97: {  	[tilespmem:s26+$0x280] =	vst.add.f32.msk $0xffff, v16  }
0x98: {  	[tilespmem:s26+$0x290] =	vst.add.f32.msk $0xffff, v17  }
0x99: {  	[tilespmem:s26+$0x2A0] =	vst.add.f32.msk $0xffff, v18  }
0x9a: {  	[tilespmem:s26+$0x2B0] =	vst.add.f32.msk $0xffff, v19  }
0x9b: {  	[tilespmem:s26+$0x2C0] =	vst.add.f32.msk $0xffff, v20  }
0x9c: {  	[tilespmem:s26+$0x2D0] =	vst.add.f32.msk $0xffff, v21  }
0x9d: {  	[tilespmem:s26+$0x2E0] =	vst.add.f32.msk $0xffff, v22  }
0x9e: {  	[tilespmem:s26+$0x2F0] =	vst.add.f32.msk $0xffff, v23  }
0x9f: {  	[tilespmem:s26+$0x300] =	vst.add.f32.msk $0xffff, v24  }
0xa0: {  	[tilespmem:s26+$0x310] =	vst.add.f32.msk $0xffff, v25  }
.Ltmp0:
0xa1: {  	[tilespmem:s26+$0x320] =	vst.add.f32.msk $0xffff, v26;
	(pc) =	sbr.rel @p0 .LBB2_3-.Ltmp0, $4  }
0xa2: {  	[tilespmem:s26+$0x330] =	vst.add.f32.msk $0xffff, v27  }
0xa3: {  	[tilespmem:s26+$0x340] =	vst.add.f32.msk $0xffff, v28  }
0xa4: {  	[tilespmem:s26+$0x350] =	vst.add.f32.msk $0xffff, v29  }
0xa5: {  	s29 =	sadd.s32 $0x800, s29;
	[tilespmem:s26+$0x360] =	vst.add.f32.msk $0xffff, v30  }
0xa6: {  	s28 =	sadd.s32 s10, s25  }
0xa7: {  	s28 =	smul.u32 $0x640, s28  }
0xa8: {  	p0 =	sne.s32 s24, $0x3F  }
0xa9: {  	[tilespmem:s26+$0x370] =	vst.add.f32.msk $0xffff, v0;
	s26 =	smul.u32 @p0 $0x190, s24;
	s31 =	sadd.s32 s3, s28  }
0xaa: {  	[hbm4b:s31+s4] =	stream.linear.scatter [tilespmem:s17], [sflag:$0x5], $0x3200, $0x38;
	[tilespmem:$0x9790] =	vst v63  }
0xab: {  	s26 =	sadd.s32 @p0 s26, s11;
	_ =	swait.ge [sflag:s21], $0x3200  }
0xac: {  	s29 =	simm.s32 @p0 $0xC8;
	s26 =	sshrl.u32 @p0 s26, $0x3;
	[sflag:s21] =	ssyncset.done $0x0  }
0xad: {  	s28 =	simm.s32 @p0 $0x0;
	s26 =	sadd.s32 @p0 s2, s26;
	[sflag:s21] =	ssyncadd.s32 $0xFFFFCE00  }
0xae: {  	[tilespmem:s29], [sflag:$0x2] =	stream.linear.gather @p0 [hbm4b:s26+s28], $0xC8, $0x38;
	[tilespmem:$0x9790] =	vst v63  }
0xaf: {  	s26 =	simm.s32 @p0 $0x5  }
0xb0: {  	_ =	swait.ge @p0 [sflag:s26], $0x3200  }
0xb1: {  	[sflag:s26] =	ssyncset.done @p0 $0x0  }
0xb2: {  	[sflag:s26] =	ssyncadd.s32 @p0 $0xFFFFCE00;
	s26 =	simm.s32 @p0 $0x1  }
0xb3: {  	_ =	swait.ge @p0 [sflag:s26], $0xC8  }
0xb4: {  	[sflag:s26] =	ssyncset.done @p0 $0x0  }
0xb5: {  	[sflag:s26] =	ssyncadd.s32 @p0 $0xFFFFFF38;
	s26 =	simm.s32 @p0 $0x190  }
0xb6: {  	[tilespmem:s26], [sflag:$0x3] =	stream.indirect.gather @p0 [hbm4b:s5+s29], $0x40, s28, s29, $0xb8;
	[tilespmem:$0x9790] =	vst v63  }
0xb7: {  	s26 =	simm.s32 @!p0 $0x5  }
0xb8: {  	_ =	swait.ge @!p0 [sflag:s26], $0x3200  }
0xb9: {  	[sflag:s26] =	ssyncset.done @!p0 $0x0  }
0xba: {  	[sflag:s26] =	ssyncadd.s32 @!p0 $0xFFFFCE00;
	s26 =	simm.s32 $0x0  }
0xbb: {  	v0 =	vld [tilespmem:s26+$0x6780]  }
0xbc: {  	v1 =	vld [tilespmem:s26+$0x6590]  }
0xbd: {  	v2 =	vld [tilespmem:s26+$0x65A0]  }
0xbe: {  	v3 =	vld [tilespmem:s26+$0x65B0]  }
0xbf: {  	v4 =	vld [tilespmem:s26+$0x65C0]  }
0xc0: {  	v5 =	vld [tilespmem:s26+$0x65D0]  }
0xc1: {  	v6 =	vld [tilespmem:s26+$0x65E0]  }
0xc2: {  	v7 =	vld [tilespmem:s26+$0x65F0]  }
0xc3: {  	v8 =	vld [tilespmem:s26+$0x6600]  }
0xc4: {  	v9 =	vld [tilespmem:s26+$0x6610]  }
0xc5: {  	v10 =	vld [tilespmem:s26+$0x6620]  }
0xc6: {  	v11 =	vld [tilespmem:s26+$0x6630]  }
0xc7: {  	v12 =	vld [tilespmem:s26+$0x6640]  }
0xc8: {  	v13 =	vld [tilespmem:s26+$0x6650]  }
0xc9: {  	v14 =	vld [tilespmem:s26+$0x6660]  }
0xca: {  	v15 =	vld [tilespmem:s26+$0x6670]  }
0xcb: {  	v16 =	vld [tilespmem:s26+$0x6680]  }
0xcc: {  	v17 =	vld [tilespmem:s26+$0x6690]  }
0xcd: {  	v18 =	vld [tilespmem:s26+$0x66A0]  }
0xce: {  	v19 =	vld [tilespmem:s26+$0x66B0]  }
0xcf: {  	v20 =	vld [tilespmem:s26+$0x66C0]  }
0xd0: {  	v21 =	vld [tilespmem:s26+$0x66D0]  }
0xd1: {  	v22 =	vld [tilespmem:s26+$0x66E0]  }
0xd2: {  	v23 =	vld [tilespmem:s26+$0x66F0]  }
0xd3: {  	v24 =	vld [tilespmem:s26+$0x6700]  }
0xd4: {  	v25 =	vld [tilespmem:s26+$0x6710]  }
0xd5: {  	v26 =	vld [tilespmem:s26+$0x6720]  }
0xd6: {  	v27 =	vld [tilespmem:s26+$0x6730]  }
0xd7: {  	v28 =	vld [tilespmem:s26+$0x6740]  }
0xd8: {  	v29 =	vld [tilespmem:s26+$0x6750]  }
0xd9: {  	v30 =	vld [tilespmem:s26+$0x6760]  }
0xda: {  	[tilespmem:s26+$0x3580] =	vst.add.f32.msk $0xffff, v0  }
0xdb: {  	v0 =	vld [tilespmem:s26+$0x6770]  }
0xdc: {  	[tilespmem:s26+$0x3390] =	vst.add.f32.msk $0xffff, v1  }
0xdd: {  	[tilespmem:s26+$0x33A0] =	vst.add.f32.msk $0xffff, v2  }
0xde: {  	[tilespmem:s26+$0x33B0] =	vst.add.f32.msk $0xffff, v3  }
0xdf: {  	[tilespmem:s26+$0x33C0] =	vst.add.f32.msk $0xffff, v4  }
0xe0: {  	[tilespmem:s26+$0x33D0] =	vst.add.f32.msk $0xffff, v5  }
0xe1: {  	[tilespmem:s26+$0x33E0] =	vst.add.f32.msk $0xffff, v6  }
0xe2: {  	[tilespmem:s26+$0x33F0] =	vst.add.f32.msk $0xffff, v7  }
0xe3: {  	[tilespmem:s26+$0x3400] =	vst.add.f32.msk $0xffff, v8  }
0xe4: {  	[tilespmem:s26+$0x3410] =	vst.add.f32.msk $0xffff, v9  }
0xe5: {  	[tilespmem:s26+$0x3420] =	vst.add.f32.msk $0xffff, v10  }
0xe6: {  	[tilespmem:s26+$0x3430] =	vst.add.f32.msk $0xffff, v11  }
0xe7: {  	[tilespmem:s26+$0x3440] =	vst.add.f32.msk $0xffff, v12  }
0xe8: {  	[tilespmem:s26+$0x3450] =	vst.add.f32.msk $0xffff, v13  }
0xe9: {  	[tilespmem:s26+$0x3460] =	vst.add.f32.msk $0xffff, v14  }
0xea: {  	[tilespmem:s26+$0x3470] =	vst.add.f32.msk $0xffff, v15  }
0xeb: {  	[tilespmem:s26+$0x3480] =	vst.add.f32.msk $0xffff, v16  }
0xec: {  	[tilespmem:s26+$0x3490] =	vst.add.f32.msk $0xffff, v17  }
0xed: {  	[tilespmem:s26+$0x34A0] =	vst.add.f32.msk $0xffff, v18  }
0xee: {  	[tilespmem:s26+$0x34B0] =	vst.add.f32.msk $0xffff, v19  }
0xef: {  	[tilespmem:s26+$0x34C0] =	vst.add.f32.msk $0xffff, v20  }
0xf0: {  	[tilespmem:s26+$0x34D0] =	vst.add.f32.msk $0xffff, v21  }
0xf1: {  	[tilespmem:s26+$0x34E0] =	vst.add.f32.msk $0xffff, v22  }
0xf2: {  	[tilespmem:s26+$0x34F0] =	vst.add.f32.msk $0xffff, v23  }
0xf3: {  	[tilespmem:s26+$0x3500] =	vst.add.f32.msk $0xffff, v24  }
0xf4: {  	[tilespmem:s26+$0x3510] =	vst.add.f32.msk $0xffff, v25  }
0xf5: {  	[tilespmem:s26+$0x3520] =	vst.add.f32.msk $0xffff, v26  }
0xf6: {  	[tilespmem:s26+$0x3530] =	vst.add.f32.msk $0xffff, v27  }
0xf7: {  	[tilespmem:s26+$0x3540] =	vst.add.f32.msk $0xffff, v28  }
0xf8: {  	[tilespmem:s26+$0x3550] =	vst.add.f32.msk $0xffff, v29  }
0xf9: {  	s25 =	sor.u32 $0x1, s25;
	s28 =	simm.s32 $0x0;
	s29 =	simm.s32 $0x800;
	[tilespmem:s26+$0x3560] =	vst.add.f32.msk $0xffff, v30  }
.LBB2_5:
0xfa: {  	s28 =	sadd.s32 $0x8, s28;
	[tilespmem:s26+$0x3570] =	vst.add.f32.msk $0xffff, v0;
	s26 =	sshra.s32 s29, $0x2  }
0xfb: {  	v0 =	vld [tilespmem:s26+$0x6780];
	p0 =	slt.u32 s28, $0xC0  }
0xfc: {  	v1 =	vld [tilespmem:s26+$0x6590]  }
0xfd: {  	v2 =	vld [tilespmem:s26+$0x65A0]  }
0xfe: {  	v3 =	vld [tilespmem:s26+$0x65B0]  }
0xff: {  	v4 =	vld [tilespmem:s26+$0x65C0]  }
0x100: {  	[tilespmem:s26+$0x3580] =	vst.add.f32.msk $0xffff, v0  }
0x101: {  	v5 =	vld [tilespmem:s26+$0x65D0]  }
0x102: {  	v6 =	vld [tilespmem:s26+$0x65E0]  }
0x103: {  	v7 =	vld [tilespmem:s26+$0x65F0]  }
0x104: {  	v8 =	vld [tilespmem:s26+$0x6600]  }
0x105: {  	v9 =	vld [tilespmem:s26+$0x6610]  }
0x106: {  	v10 =	vld [tilespmem:s26+$0x6620]  }
0x107: {  	v11 =	vld [tilespmem:s26+$0x6630]  }
0x108: {  	v12 =	vld [tilespmem:s26+$0x6640]  }
0x109: {  	v13 =	vld [tilespmem:s26+$0x6650]  }
0x10a: {  	v14 =	vld [tilespmem:s26+$0x6660]  }
0x10b: {  	v15 =	vld [tilespmem:s26+$0x6670]  }
0x10c: {  	v16 =	vld [tilespmem:s26+$0x6680]  }
0x10d: {  	v17 =	vld [tilespmem:s26+$0x6690]  }
0x10e: {  	v18 =	vld [tilespmem:s26+$0x66A0]  }
0x10f: {  	v19 =	vld [tilespmem:s26+$0x66B0]  }
0x110: {  	v20 =	vld [tilespmem:s26+$0x66C0]  }
0x111: {  	v21 =	vld [tilespmem:s26+$0x66D0]  }
0x112: {  	v22 =	vld [tilespmem:s26+$0x66E0]  }
0x113: {  	v23 =	vld [tilespmem:s26+$0x66F0]  }
0x114: {  	v24 =	vld [tilespmem:s26+$0x6700]  }
0x115: {  	v25 =	vld [tilespmem:s26+$0x6710]  }
0x116: {  	v26 =	vld [tilespmem:s26+$0x6720]  }
0x117: {  	v27 =	vld [tilespmem:s26+$0x6730]  }
0x118: {  	v28 =	vld [tilespmem:s26+$0x6740]  }
0x119: {  	v29 =	vld [tilespmem:s26+$0x6750]  }
0x11a: {  	v30 =	vld [tilespmem:s26+$0x6760]  }
0x11b: {  	v0 =	vld [tilespmem:s26+$0x6770]  }
0x11c: {  	[tilespmem:s26+$0x3390] =	vst.add.f32.msk $0xffff, v1  }
0x11d: {  	[tilespmem:s26+$0x33A0] =	vst.add.f32.msk $0xffff, v2  }
0x11e: {  	[tilespmem:s26+$0x33B0] =	vst.add.f32.msk $0xffff, v3  }
0x11f: {  	[tilespmem:s26+$0x33C0] =	vst.add.f32.msk $0xffff, v4  }
0x120: {  	[tilespmem:s26+$0x33D0] =	vst.add.f32.msk $0xffff, v5  }
0x121: {  	[tilespmem:s26+$0x33E0] =	vst.add.f32.msk $0xffff, v6  }
0x122: {  	[tilespmem:s26+$0x33F0] =	vst.add.f32.msk $0xffff, v7  }
0x123: {  	[tilespmem:s26+$0x3400] =	vst.add.f32.msk $0xffff, v8  }
0x124: {  	[tilespmem:s26+$0x3410] =	vst.add.f32.msk $0xffff, v9  }
0x125: {  	[tilespmem:s26+$0x3420] =	vst.add.f32.msk $0xffff, v10  }
0x126: {  	[tilespmem:s26+$0x3430] =	vst.add.f32.msk $0xffff, v11  }
0x127: {  	[tilespmem:s26+$0x3440] =	vst.add.f32.msk $0xffff, v12  }
0x128: {  	[tilespmem:s26+$0x3450] =	vst.add.f32.msk $0xffff, v13  }
0x129: {  	[tilespmem:s26+$0x3460] =	vst.add.f32.msk $0xffff, v14  }
0x12a: {  	[tilespmem:s26+$0x3470] =	vst.add.f32.msk $0xffff, v15  }
0x12b: {  	[tilespmem:s26+$0x3480] =	vst.add.f32.msk $0xffff, v16  }
0x12c: {  	[tilespmem:s26+$0x3490] =	vst.add.f32.msk $0xffff, v17  }
0x12d: {  	[tilespmem:s26+$0x34A0] =	vst.add.f32.msk $0xffff, v18  }
0x12e: {  	[tilespmem:s26+$0x34B0] =	vst.add.f32.msk $0xffff, v19  }
0x12f: {  	[tilespmem:s26+$0x34C0] =	vst.add.f32.msk $0xffff, v20  }
0x130: {  	[tilespmem:s26+$0x34D0] =	vst.add.f32.msk $0xffff, v21  }
0x131: {  	[tilespmem:s26+$0x34E0] =	vst.add.f32.msk $0xffff, v22  }
0x132: {  	[tilespmem:s26+$0x34F0] =	vst.add.f32.msk $0xffff, v23  }
0x133: {  	[tilespmem:s26+$0x3500] =	vst.add.f32.msk $0xffff, v24  }
0x134: {  	[tilespmem:s26+$0x3510] =	vst.add.f32.msk $0xffff, v25  }
.Ltmp1:
0x135: {  	[tilespmem:s26+$0x3520] =	vst.add.f32.msk $0xffff, v26;
	(pc) =	sbr.rel @p0 .LBB2_5-.Ltmp1, $4  }
0x136: {  	[tilespmem:s26+$0x3530] =	vst.add.f32.msk $0xffff, v27  }
0x137: {  	[tilespmem:s26+$0x3540] =	vst.add.f32.msk $0xffff, v28  }
0x138: {  	[tilespmem:s26+$0x3550] =	vst.add.f32.msk $0xffff, v29  }
0x139: {  	s29 =	sadd.s32 $0x800, s29;
	[tilespmem:s26+$0x3560] =	vst.add.f32.msk $0xffff, v30  }
0x13a: {  	s24 =	sadd.s32 $0x1, s24  }
0x13b: {  	p0 =	sne.s32 s24, $0x40  }
.Ltmp2:
0x13c: {  	s25 =	sadd.s32 s10, s25;
	(pc) =	sbr.rel @p0 .LBB2_2-.Ltmp2, $3  }
0x13d: {  	s25 =	smul.u32 $0x640, s25;
	_ =	sdelay $0x1  }
0x13e: {  	[tilespmem:s26+$0x3570] =	vst.add.f32.msk $0xffff, v0;
	s25 =	sadd.s32 s3, s25  }
0x13f: {  	[hbm4b:s25+s4] =	stream.linear.scatter [tilespmem:s20], [sflag:$0x6], $0x3200, $0x38;
	[tilespmem:$0x9790] =	vst v63  }
0x140: {  	s23 =	sadd.s32 $0x1, s23  }
0x141: {  	p0 =	sne.s32 s23, s12  }
.Ltmp3:
0x142: {  	_ = 	snop;
	(pc) =	sbr.rel @p0 .LBB2_1-.Ltmp3, $4  }
0x143: {  	_ = 	snop  }
0x144: {  	_ =	swait.ge [sflag:s22], $0x3200  }
0x145: {  	[sflag:s22] =	ssyncset.done $0x0  }
0x146: {  	[sflag:s22] =	ssyncadd.s32 $0xFFFFCE00  }
0x147: {  	_ =	sfence.sel $0x180000  }
0x148: {  	[bflag:$0x0] =	sbarrier.arrive $0xFFFF  }
0x149: {  	p0 =	sne.s32 s0, $0x0;
	_ =	strace $0x90000047  }
0x14a: {  	s0 =	sadd.s32 @!p0 $0x100000, s1;
	[bflag:$0x2] =	sbarrier.arrive $0xFFFF  }
0x14b: {  	[sflag:s0] =	ssyncadd.tile.s32 @!p0 $0x1;
	_ =	shalt  }
.Lfunc_end2:
_tile_overlayer_lowered:
.L_overlay_start_2:
0x14c: {  	(tag) =	ssettag $0x2  }
0x14d: {  	s0 =	rddreg [dreg:$0x0];
	s2 =	stileid.u32  }
0x14e: {  	s1 =	rddreg [dreg:$0x1];
	p0 =	sne.s32 s2, $0x0  }
0x14f: {  	s3 =	rddreg [dreg:$0x2];
	[bflag:$0x3] =	sbarrier.arrive $0xFFFF;
	s2 =	simm.s32 @!p0 $0x1C07  }
0x150: {  	[timem:s3], [sflag:s2] =	dma.local @!p0 [hbm:s0], s1  }
0x151: {  	s0 =	simm.s32 @!p0 $0x7  }
0x152: {  	_ =	swait.ge @!p0 [sflag:s0], s1  }
0x153: {  	s1 =	ssub.s32 @!p0 $0x0, s1;
	[sflag:s0] =	ssyncset.done @!p0 $0x0  }
0x154: {  	[sflag:s0] =	ssyncadd.s32 @!p0 s1  }
0x155: {  	[bflag:$0x3] =	sbarrier.arrive $0xFFFF  }
0x156: {  	_ =	shalt  }

// kernel: sparse-core-data-format-call.cloned.1.call-start
scs
called_computation_lowered:
.L_overlay_start_0:
0x0: {  	s2 =	sld [smem:$0x3FD9]  }
0x1: {  	s3 =	sld [smem:$0x3FFE];
	_ =	sdelay $0x1  }
0x2: {  	s1 =	srdreg.scid  }
0x3: {  	s0 =	sand.u32 $0x1, s1  }
0x4: {  	s18 =	sshll.u32 s0, $0xA;
	s2 =	sadd.s32 s3, s2  }
0x5: {  	s2 =	sadd.s32 s2, s18  }
0x6: {  	[smem:$0x3FC5] =	sst s2  }
0x7: {  	_ = 	snop  }
0x8: {  	s2 =	sld [smem:$0x3FD0];
	(tm) =	ssettm $0x1  }
0x9: {  	s19 =	sld [smem:$0x3FFB];
	_ =	sdelay $0x3  }
0xa: {  	_ =	strace s19  }
0xb: {  	s3 =	sld [smem:$0x3FFC];
	_ =	sdelay $0x3  }
0xc: {  	_ =	strace s3  }
0xd: {  	s3 =	sld [smem:$0x3FFD];
	_ =	sdelay $0x3  }
0xe: {  	_ =	strace s3  }
0xf: {  	_ =	strace $0x8FFFFFFF  }
0x10: {  	s20 =	sld [smem:$0x3FDB];
	_ =	sdelay $0x1  }
0x11: {  	s4 =	simm.s32 $_scs_section_size  }
0x12: {  	s5 =	simm.s32 $_size__tile_overlayer_lowered;
	s6 =	simm.s32 $_tile_overlayer_lowered  }
0x13: {  	s23 =	simm.s32 $0x1BFF;
	s22 =	sshll.u32 s6, $0x1;
	s3 =	sadd.s32 s4, s20  }
0x14: {  	s7 =	simm.s32 $0x0;
	s21 =	sshll.u32 s5, $0x1;
	s5 =	sadd.s32 s22, s3  }
0x15: {  	[timem:s7], [sflag:s23] =	dma.local [hbm:s5], s21  }
0x16: {  	_ =	swait.ge [sflag:s23], s21  }
0x17: {  	s4 =	ssub.s32 $0x0, s21;
	[sflag:s23] =	ssyncset.done $0x0  }
0x18: {  	[sflag:s23] =	ssyncadd.s32 s4;
	_ =	sdelay $0x1  }
0x19: {  	s24 =	simm.s32 $0x1B8B  }
0x1a: {  	_ =	swait.ge [sflag:s24], $0x1  }
0x1b: {  	[sflag:s24] =	ssyncset.done $0x0  }
0x1c: {  	s26 =	simm.s32 $0x1B8E;
	s25 =	sld [smem:$0x3FFE];
	[sflag:s24] =	ssyncadd.s32 $0xFFFFFFFF  }
0x1d: {  	s27 =	simm.s32 $execute0_lowered;
	[smem:$0x3FD2] =	sst s26  }
0x1e: {  	s5 =	sshll.u32 s27, $0x1;
	_ =	strace $0x80000049;
	[dreg:$0x1] =	wrdreg $0xFFFFFFFF  }
0x1f: {  	s28 =	simm.s32 $_size_execute0_lowered;
	s3 =	sadd.s32 s3, s5;
	[dreg:$0x0] =	wrdreg $0x0  }
0x20: {  	s5 =	sshll.u32 s28, $0x1;
	[dreg:$0x2] =	wrdreg s3  }
0x21: {  	[dreg:$0x3] =	wrdreg s5  }
0x22: {  	[dreg:$0x4] =	wrdreg $0xC0  }
0x23: {  	_ =	task [dreg:s7], $0x5FFFF  }
0x24: {  	[dreg:$0x1] =	wrdreg $0xFFFFFFFF  }
0x25: {  	[dreg:$0x0] =	wrdreg $0x60  }
0x26: {  	[dreg:$0x2] =	wrdreg s25  }
0x27: {  	[dreg:$0x3] =	wrdreg s2  }
0x28: {  	[dreg:$0x4] =	wrdreg $0x9  }
0x29: {  	_ =	task.clear_ibuf [dreg:s7], $0x5FFFF;
	_ =	strace $0x90000049  }
0x2a: {  	s29 =	simm.s32 $0x9;
	_ =	strace $0x8000004B  }
0x2b: {  	_ =	swait.ge [sflag:s29], $0x1  }
0x2c: {  	[sflag:s29] =	ssyncadd.s32 $0xFFFFFFFF  }
0x2d: {  	_ =	strace $0x9000004B  }
0x2e: {  	_ =	sfence  }
0x2f: {  	s30 =	sld [smem:$0x0];
	_ =	sdelay $0x2  }
0x30: {  	s31 =	sshll.u32 s1, $0xD;
	s1 =	sshrl.u32 s1, $0x2  }
0x31: {  	s3 =	sand.u32 $0x4000, s31;
	s1 =	sadd.s32 s1, s30  }
0x32: {  	s0 =	sor.u32 s3, s0;
	s1 =	sshll.u32 s1, $0x11  }
0x33: {  	s0 =	sor.u32 s1, s0  }
0x34: {  	s0 =	sadd.s32 $0x8F2B, s0  }
0x35: {  	[sflag:s0] =	ssyncadd.remote.s32 $0x1  }
0x36: {  	_ =	sfence.sel $0xFFFF  }
0x37: {  	[dreg:$0x0] =	wrdreg $0xFFFFFFFF;
	(pc) =	sbr.abs _section_cstart, $3  }
0x38: {  	[dreg:$0x1] =	wrdreg $0xFFFFFFFF  }
0x39: {  	_ =	task.clear_ibuf [dreg:s7], $0x2FFFF;
	_ =	strace $0x9FFFFFFF  }
0x3a: {  	(tm) =	ssettm $0x7FFFFFFF  }
0x3b: {  	_ =	shalt  }
tec
execute0_lowered:
.L_overlay_start_1:
0x0: {  	(tag) =	ssettag $0x1  }
0x1: {  	s0 =	srdreg.scid  }
0x2: {  	s1 =	sshll.u32 s0, $0x4  }
0x3: {  	s0 =	stileid.u32;
	s1 =	sand.u32 $0x10, s1  }
0x4: {  	s1 =	sor.u32 s0, s1  }
0x5: {  	s6 =	rddreg [dreg:$0x0];
	s4 =	simm.s32 $0x1;
	s2 =	sshll.u32 s1, $0x7  }
0x6: {  	s7 =	simm.s32 $0x2;
	s12 =	simm.s32 $0x0;
	s1 =	ssub.s32 $0x1000, s2  }
0x7: {  	s8 =	simm.s32 $0x8000;
	s13 =	simm.s32 $0x0;
	s3 =	sand.u32 $0xF80, s1  }
0x8: {  	s9 =	simm.s32 $0x0;
	s5 =	sshrl.u32 s1, $0xC;
	p0 =	sne.s32 s3, $0x0  }
.Ltmp0:
0x9: {  	s1 =	rddreg [dreg:$0x2];
	s4 =	simm.s32 @!p0 $0x0;
	(pc) =	sbr.rel .LBB1_1-.Ltmp0, $4  }
0xa: {  	s11 =	simm.s32 $0x0;
	s3 =	rddreg [dreg:$0x1];
	s5 =	sadd.s32 s4, s5  }
0xb: {  	_ =	strace $0x8000004A;
	s4 =	simm.s32 $0x1;
	s5 =	smul.u32 $0xC8, s5  }
0xc: {  	s6 =	sadd.s32 $0xA00, s6;
	s10 =	smov.u32 s2;
	[sflag:s4] =	ssyncpa.u1 $0x0  }
0xd: {  	p0 =	por $0x0, $0x0;
	[sflag:s7] =	ssyncpa.u1 $0x0;
	s7 =	sor.u32 $0x1, s5  }
.LBB1_4:
0xe: {  	s16 =	sshll.u32 s13, $0x3;
	s17 =	sand.u32 $0x78, s13  }
0xf: {  	s30 =	sand.u32 $0x7E00, s13;
	s12 =	sshll.u32 s12, $0xF;
	s16 =	sand.u32 $0xC00, s16  }
0x10: {  	[tilespmem:s15+$0x810 ss:$0x81] =	vst.msk $0xffff, v2;
	s31 =	sand.u32 $0x7, s13;
	s16 =	sor.u32 s17, s16;
	s17 =	sadd.s32 s3, s30  }
0x11: {  	[tilespmem:s15+$0x1020 ss:$0x81] =	vst.msk $0xffff, v0;
	s13 =	sshll.u32 s31, $0x12;
	s12 =	sadd.s32 s12, s17;
	s16 =	sshrl.u32 s16, $0x3  }
0x12: {  	[tilespmem:s15+$0x0 ss:$0x81] =	vst.msk $0xffff, v1;
	s13 =	sor.u32 $0x400, s13;
	s12 =	sadd.s32 s16, s12  }
0x13: {  	[hbm4b:s12+s13] =	stream.strided.scatter [tilespmem:s14], [sflag:$0x2], $0x2000, s8, s13, $0x20;
	[tilespmem:$0x8080] =	vst v63  }
.LBB1_5:
0x14: {  	s14 =	sadd.s32 $0x1, s9  }
0x15: {  	s12 =	sadd.s32 $0x1000, s10;
	s16 =	smov.u32 s10;
	p2 =	sgt.s32 s14, $0xC7  }
0x16: {  	s16 =	smov.u32 @p2 s12  }
0x17: {  	s14 =	simm.s32 @p2 $0x0;
	p2 =	sgt.s32 s16, $0xFFF  }
0x18: {  	s16 =	smov.u32 @p2 s2;
	p2 =	sne.s32 s11, s7  }
.Ltmp1:
0x19: {  	p1 =	slt.u32 s11, $0x2;
	(pc) =	sbr.rel @!p2 .LBB1_6-.Ltmp1, $4  }
0x1a: {  	s15 =	simm.s32 @!p1 $0x2  }
0x1b: {  	s13 =	smov.u32 s10;
	p0 =	por !p0, !p0;
	_ =	swait.ge @!p1 [sflag:s15], $0x2000  }
0x1c: {  	s12 =	smov.u32 s9;
	[sflag:s15] =	ssyncset.done @!p1 $0x0;
	s9 =	smov.u32 s14  }
0x1d: {  	s11 =	sadd.s32 $0x1, s11;
	[sflag:s15] =	ssyncadd.s32 @!p1 $0xFFFFE000;
	s10 =	smov.u32 s16  }
.LBB1_1:
0x1e: {  	p1 =	sge.u32 s11, s5  }
0x1f: {  	s14 =	sand.u32 @!p1 $0x1FFFFFF, s9  }
0x20: {  	s15 =	smulhi.u32 @!p1 $0x147AE15, s14;
	_ =	sdelay $0x1  }
0x21: {  	s15 =	smul.u32 @!p1 $0xC8, s15  }
0x22: {  	s16 =	sxor.u32 @!p1 $0xFFFFFFFF, s11;
	s17 =	smul.u32 @!p1 $0xC80, s10  }
0x23: {  	s31 =	sadd.s32 $0xFFFFFFFF, s11;
	s16 =	sshll.u32 @!p1 s16, $0xD;
	s14 =	ssub.s32 @!p1 s14, s15  }
0x24: {  	s15 =	sand.u32 @!p1 $0x2000, s16;
	s16 =	sadd.s32 @!p1 s6, s17;
	s14 =	sshll.u32 @!p1 s14, $0x4  }
0x25: {  	s17 =	simm.s32 @!p1 $0x6400;
	s14 =	sadd.s32 @!p1 s14, s16;
	s16 =	simm.s32 @!p1 $0x40  }
0x26: {  	[tilespmem:s15], [sflag:$0x1] =	stream.strided.gather @!p1 [hbm4b:s14+s16], $0x2000, s17, s16, $0x38;
	[tilespmem:$0x8080] =	vst v63  }
0x27: {  	p1 =	sge.u32 s31, s5  }
.Ltmp2:
0x28: {  	_ = 	snop;
	(pc) =	sbr.rel @p1 .LBB1_5-.Ltmp2, $1  }
0x29: {  	_ =	sdelay $0x3  }
0x2a: {  	s14 =	simm.s32 $0x1  }
0x2b: {  	_ =	swait.ge [sflag:s4], $0x2000;
	s14 =	simm.s32 @!p0 $0x0  }
0x2c: {  	[sflag:s4] =	ssyncset.done $0x0;
	s15 =	sshll.u32 s14, $0xD  }
0x2d: {  	[sflag:s4] =	ssyncadd.s32 $0xFFFFE000;
	s18 =	sor.u32 $0x20, s15  }
0x2e: {  	s14 =	smul.u32 $0x8100, s14;
	v3 =	vld [tilespmem:s18+$0x10]  }
0x2f: {  	s30 =	sand.u32 $0x1, s11;
	v2 =	vld [tilespmem:s18+$0xFFFFFFF0]  }
0x30: {  	s15 =	smul.u32 $0x8100, s30;
	s14 =	sshrl.u32 s14, $0x2;
	v0 =	vld [tilespmem:s18+$0x0]  }
0x31: {  	v1 =	vld [tilespmem:s18+$0xFFFFFFE0];
	s16 =	sor.u32 $0x4000, s14  }
0x32: {  	s31 =	sshrl.u32 s15, $0x2;
	s15 =	sadd.s32 $0x0, s16  }
0x33: {  	s17 =	simm.s32 $0x4;
	s18 =	sadd.s32 $0x40, s18;
	s14 =	sor.u32 $0x4000, s31;
	[tilespmem:s15+$0x1830 ss:$0x81] =	vst.msk $0xffff, v3  }
.LBB1_3:
0x34: {  	v3 =	vld [tilespmem:s18+$0x10];
	p1 =	sne.s32 s17, $0x1FC;
	[tilespmem:s15+$0x810 ss:$0x81] =	vst.msk $0xffff, v2;
	s19 =	smov.u32 s17;
	s17 =	sadd.s32 $0x4, s17  }
.Ltmp3:
0x35: {  	v2 =	vld [tilespmem:s18+$0xFFFFFFF0];
	[tilespmem:s15+$0x1020 ss:$0x81] =	vst.msk $0xffff, v0;
	(pc) =	sbr.rel @p1 .LBB1_3-.Ltmp3, $4  }
0x36: {  	v0 =	vld [tilespmem:s18+$0x0];
	[tilespmem:s15+$0x0 ss:$0x81] =	vst.msk $0xffff, v1  }
0x37: {  	s15 =	sshra.s32 s19, $0x2;
	v1 =	vld [tilespmem:s18+$0xFFFFFFE0]  }
0x38: {  	s15 =	sadd.s32 s15, s16  }
0x39: {  	s18 =	sadd.s32 $0x40, s18;
	[tilespmem:s15+$0x1830 ss:$0x81] =	vst.msk $0xffff, v3  }
.Ltmp4:
0x3a: {  	_ = 	snop;
	(pc) =	sbr.rel .LBB1_4-.Ltmp4, $1  }
0x3b: {  	_ =	sdelay $0x3  }
.LBB1_6:
0x3c: {  	_ =	sfence.sel $0x180000  }
0x3d: {  	s2 =	simm.s32 $0x1;
	[bflag:$0x0] =	sbarrier.arrive $0xFFFF  }
0x3e: {  	s31 =	simm.s32 $0x2;
	[sflag:s2] =	ssyncpa.u1 $0x1  }
0x3f: {  	[sflag:s31] =	ssyncpa.u1 $0x1  }
0x40: {  	p0 =	sne.s32 s0, $0x0;
	_ =	strace $0x9000004A  }
0x41: {  	s0 =	sadd.s32 @!p0 $0x100000, s1;
	[bflag:$0x2] =	sbarrier.arrive $0xFFFF  }
0x42: {  	[sflag:s0] =	ssyncadd.tile.s32 @!p0 $0x1;
	_ =	shalt  }
.Lfunc_end1:
_tile_overlayer_lowered:
.L_overlay_start_2:
0x43: {  	(tag) =	ssettag $0x2  }
0x44: {  	s0 =	rddreg [dreg:$0x0];
	s2 =	stileid.u32  }
0x45: {  	s1 =	rddreg [dreg:$0x1];
	p0 =	sne.s32 s2, $0x0  }
0x46: {  	s3 =	rddreg [dreg:$0x2];
	[bflag:$0x3] =	sbarrier.arrive $0xFFFF;
	s2 =	simm.s32 @!p0 $0x1C01  }
0x47: {  	[timem:s3], [sflag:s2] =	dma.local @!p0 [hbm:s0], s1  }
0x48: {  	s0 =	simm.s32 @!p0 $0x1  }
0x49: {  	_ =	swait.ge @!p0 [sflag:s0], s1  }
0x4a: {  	s1 =	ssub.s32 @!p0 $0x0, s1;
	[sflag:s0] =	ssyncset.done @!p0 $0x0  }
0x4b: {  	[sflag:s0] =	ssyncadd.s32 @!p0 s1  }
0x4c: {  	[bflag:$0x3] =	sbarrier.arrive $0xFFFF  }
0x4d: {  	_ =	shalt  }

</sc_bundles>
